<compile_context>
chip_gen: v7x
topology: tpu7x:2x2x1
jax: 0.10.2.dev20260603
libtpu: 0.0.44.dev20260713+nightly
codegen_flags: <defaults>
</compile_context>

<pallas_src>
import jax
import jax.numpy as jnp
import numpy as np
from jax import lax
from jax.experimental import pallas as pl
from jax.experimental.pallas import tpu as pltpu
from jax.experimental.pallas import tpu_sc as plsc

VOCAB = 100000
D_MODEL = 128
SEQ_LEN = 2048
BATCH = 4

_NC = 2
_NS = 16
_NW = _NC * _NS
_SPAN = SEQ_LEN // _NW
_DV = D_MODEL // 16


def _build_pe() -> np.ndarray:
    pos = np.arange(SEQ_LEN)[:, None].astype(np.float64)
    i = np.arange(D_MODEL)[None, :].astype(np.float64)
    angle = pos / np.power(10000.0, (2.0 * (i // 2)) / D_MODEL)
    pe = np.zeros((SEQ_LEN, D_MODEL), dtype=np.float32)
    pe[:, 0::2] = np.sin(angle[:, 0::2])
    pe[:, 1::2] = np.cos(angle[:, 1::2])
    return pe


_PE = _build_pe()


def _embed_body(w_hbm, x1_hbm, x2_hbm, pe_hbm, out1_hbm, out2_hbm,
                idx1_v, idx2_v, pe_v, rows1_v, rows2_v, *sems):
    wid = lax.axis_index("s") * _NC + lax.axis_index("c")
    s0 = wid * _SPAN

    idx_cps = []
    for b in range(BATCH):
        idx_cps.append(pltpu.async_copy(
            x1_hbm.at[b, pl.ds(s0, _SPAN)], idx1_v.at[b], sems[1]))
        idx_cps.append(pltpu.async_copy(
            x2_hbm.at[b, pl.ds(s0, _SPAN)], idx2_v.at[b], sems[2]))
    cp_pe = pltpu.async_copy(pe_hbm.at[pl.ds(s0, _SPAN)], pe_v, sems[0])
    for cp in idx_cps:
        cp.wait()

    gathers = []
    for b in range(BATCH):
        for idx_v, rows_v in ((idx1_v, rows1_v), (idx2_v, rows2_v)):
            sem = sems[3 + len(gathers)]
            gathers.append(
                (pltpu.async_copy(w_hbm.at[idx_v.at[b]], rows_v.at[b], sem),
                 sem))

    cp_pe.wait()
    stores = []
    for b in range(BATCH):
        (cp1, sem1), (cp2, sem2) = gathers[2 * b], gathers[2 * b + 1]
        cp1.wait()
        cp2.wait()

        @plsc.parallel_loop(0, _SPAN, step=1)
        def _(r):
            for rr in range(1):
                for d in range(_DV):
                    dsl = pl.ds(d * 16, 16)
                    pv = pe_v[r + rr, dsl]
                    plsc.addupdate(rows1_v.at[b, r + rr, dsl], pv)
                    plsc.addupdate(rows2_v.at[b, r + rr, dsl], pv)

        stores.append(pltpu.async_copy(
            rows1_v.at[b], out1_hbm.at[b, pl.ds(s0, _SPAN)], sem1))
        stores.append(pltpu.async_copy(
            rows2_v.at[b], out2_hbm.at[b, pl.ds(s0, _SPAN)], sem2))
    for st in stores:
        st.wait()


_sc_embed = pl.kernel(
    _embed_body,
    out_type=(
        jax.ShapeDtypeStruct((BATCH, SEQ_LEN, D_MODEL), jnp.float32),
        jax.ShapeDtypeStruct((BATCH, SEQ_LEN, D_MODEL), jnp.float32),
    ),
    mesh=plsc.VectorSubcoreMesh(core_axis_name="c", subcore_axis_name="s"),
    scratch_types=[
        pltpu.VMEM((BATCH, _SPAN), jnp.int32),
        pltpu.VMEM((BATCH, _SPAN), jnp.int32),
        pltpu.VMEM((_SPAN, D_MODEL), jnp.float32),
        pltpu.VMEM((BATCH, _SPAN, D_MODEL), jnp.float32),
        pltpu.VMEM((BATCH, _SPAN, D_MODEL), jnp.float32),
    ] + [pltpu.SemaphoreType.DMA] * (3 + 2 * BATCH),
)


@jax.jit
def kernel(x, x_output, W):
    pe = jnp.asarray(_PE)
    return _sc_embed(W, x, x_output, pe)

# --- scband reference (transcript-rebuilt; emitter-appended) ---
"""Pipeline reference for scband-embedder-49117245997786 (READ-ONLY COPY).

The authoritative reference and input builder live on the scoring server;
editing this copy changes nothing except your own understanding.
"""

import jax, jax.numpy as jnp
import numpy as np

VOCAB = 100000
D_MODEL = 128
SEQ_LEN = 2048
BATCH = 4

def sinusoidal_pe(seq_len, d_model):
    pos = np.arange(seq_len)[:, None].astype(np.float64)
    i = np.arange(d_model)[None, :].astype(np.float64)
    angle = pos / np.power(10000.0, (2.0 * (i // 2)) / d_model)
    pe = np.zeros((seq_len, d_model), dtype=np.float32)
    pe[:, 0::2] = np.sin(angle[:, 0::2])
    pe[:, 1::2] = np.cos(angle[:, 1::2])
    return jnp.asarray(pe)

def setup_inputs(seed: int = 0) -> dict:
    key = jax.random.key(seed)
    k1, k2, k3 = jax.random.split(key, 3)
    x = jax.random.randint(k1, (BATCH, SEQ_LEN), 0, VOCAB, dtype=jnp.int32)
    x_output = jax.random.randint(k2, (BATCH, SEQ_LEN), 0, VOCAB, dtype=jnp.int32)
    # keras 'uniform' embeddings_initializer: U(-0.05, 0.05)
    W = jax.random.uniform(k3, (VOCAB, D_MODEL), minval=-0.05, maxval=0.05, dtype=jnp.float32)
    return {"x": x, "x_output": x_output, "W": W}

def reference(x, x_output, W):
    # shared word embedding (gather)
    enc_emb = jnp.take(W, x, axis=0)          # [B, S, D]
    dec_emb = jnp.take(W, x_output, axis=0)   # [B, S, D]
    # sinusoidal positional encoding, broadcast over batch
    pe = sinusoidal_pe(SEQ_LEN, D_MODEL)[None, :, :]
    # Add layers: total embedding = word embedding + positional encoding
    h_L0 = enc_emb + pe
    h_output = dec_emb + pe
    # Dropout is identity at inference
    return (h_L0, h_output)

if __name__ == "__main__":
    import jax
    _d = setup_inputs()
    print(jax.jit(kernel)(*tuple(_d.values())))

</pallas_src>

<mosaic_0001>
#map = affine_map<(d0, d1) -> (0, 0)>
#map1 = affine_map<(d0, d1) -> (0, 0, 0)>
module attributes {stable_mosaic.version = 14 : i64} {
  func.func @_embed_body(%arg0: i32, %arg1: i32, %arg2: memref<100000x128xf32, #tpu.memory_space<hbm>>, %arg3: memref<4x2048xi32, #tpu.memory_space<hbm>>, %arg4: memref<4x2048xi32, #tpu.memory_space<hbm>>, %arg5: memref<2048x128xf32, #tpu.memory_space<hbm>>, %arg6: memref<4x2048x128xf32, #tpu.memory_space<hbm>>, %arg7: memref<4x2048x128xf32, #tpu.memory_space<hbm>>, %arg8: memref<4x64xi32, #tpu.memory_space<vmem>>, %arg9: memref<4x64xi32, #tpu.memory_space<vmem>>, %arg10: memref<64x128xf32, #tpu.memory_space<vmem>>, %arg11: memref<4x64x128xf32, #tpu.memory_space<vmem>>, %arg12: memref<4x64x128xf32, #tpu.memory_space<vmem>>, %arg13: memref<!tpu.dma_semaphore, #tpu.memory_space<semaphore_mem>>, %arg14: memref<!tpu.dma_semaphore, #tpu.memory_space<semaphore_mem>>, %arg15: memref<!tpu.dma_semaphore, #tpu.memory_space<semaphore_mem>>, %arg16: memref<!tpu.dma_semaphore, #tpu.memory_space<semaphore_mem>>, %arg17: memref<!tpu.dma_semaphore, #tpu.memory_space<semaphore_mem>>, %arg18: memref<!tpu.dma_semaphore, #tpu.memory_space<semaphore_mem>>, %arg19: memref<!tpu.dma_semaphore, #tpu.memory_space<semaphore_mem>>, %arg20: memref<!tpu.dma_semaphore, #tpu.memory_space<semaphore_mem>>, %arg21: memref<!tpu.dma_semaphore, #tpu.memory_space<semaphore_mem>>, %arg22: memref<!tpu.dma_semaphore, #tpu.memory_space<semaphore_mem>>, %arg23: memref<!tpu.dma_semaphore, #tpu.memory_space<semaphore_mem>>) attributes {dimension_semantics = [#tpu.dimension_semantics<core_parallel>, #tpu.dimension_semantics<subcore_parallel>], iteration_bounds = array<i64: 2, 16>, scalar_prefetch = 0 : i64, scratch_operands = 16 : i64, tpu.core_type = #tpu.core_type<sc_vector_subcore>, window_params = [{transform_indices = #map}, {transform_indices = #map}, {transform_indices = #map}, {transform_indices = #map}, {transform_indices = #map1}, {transform_indices = #map1}]} {
    %mul3A = arith.constant 2 : i32
    %mul3A_0 = arith.muli %arg1, %mul3A : i32
    %add3A = arith.addi %mul3A_0, %arg0 : i32
    %mul3A_1 = arith.constant 64 : i32
    %mul3A_2 = arith.muli %add3A, %mul3A_1 : i32
    %dma_start3A = arith.constant 0 : i32
    %dma_start3A_3 = arith.constant 0 : i32
    %dma_start3A_4 = arith.constant 0 : i32
    %dma_start3A_5 = tpu.memref_slice %arg8[%dma_start3A_3, %dma_start3A_4] : memref<4x64xi32, #tpu.memory_space<vmem>> -> memref<1x64xi32, #tpu.memory_space<vmem>>
    %dma_start3A_6 = tpu.memref_squeeze %dma_start3A_5 : memref<1x64xi32, #tpu.memory_space<vmem>> -> memref<64xi32, #tpu.memory_space<vmem>>
    %dma_start3A_7 = tpu.memref_slice %arg3[%dma_start3A, %mul3A_2] : memref<4x2048xi32, #tpu.memory_space<hbm>> -> memref<1x64xi32, #tpu.memory_space<hbm>>
    %dma_start3A_8 = tpu.memref_squeeze %dma_start3A_7 : memref<1x64xi32, #tpu.memory_space<hbm>> -> memref<64xi32, #tpu.memory_space<hbm>>
    %dma_start3A_9 = arith.constant 0 : i32
    %dma_start3A_10 = tpu.memref_slice %arg8[%dma_start3A_3, %dma_start3A_9] : memref<4x64xi32, #tpu.memory_space<vmem>> -> memref<1x64xi32, #tpu.memory_space<vmem>>
    %dma_start3A_11 = tpu.memref_squeeze %dma_start3A_10 : memref<1x64xi32, #tpu.memory_space<vmem>> -> memref<64xi32, #tpu.memory_space<vmem>>
    %dma_start3A_12 = tpu.memref_slice %arg3[%dma_start3A, %mul3A_2] : memref<4x2048xi32, #tpu.memory_space<hbm>> -> memref<1x64xi32, #tpu.memory_space<hbm>>
    %dma_start3A_13 = tpu.memref_squeeze %dma_start3A_12 : memref<1x64xi32, #tpu.memory_space<hbm>> -> memref<64xi32, #tpu.memory_space<hbm>>
    tpu.enqueue_dma source(%dma_start3A_13 : memref<64xi32, #tpu.memory_space<hbm>>) target(%dma_start3A_11 : memref<64xi32, #tpu.memory_space<vmem>>) target_semaphore(%arg14 : memref<!tpu.dma_semaphore, #tpu.memory_space<semaphore_mem>>)
    %dma_start3A_14 = arith.constant 0 : i32
    %dma_start3A_15 = arith.constant 0 : i32
    %dma_start3A_16 = arith.constant 0 : i32
    %dma_start3A_17 = tpu.memref_slice %arg9[%dma_start3A_15, %dma_start3A_16] : memref<4x64xi32, #tpu.memory_space<vmem>> -> memref<1x64xi32, #tpu.memory_space<vmem>>
    %dma_start3A_18 = tpu.memref_squeeze %dma_start3A_17 : memref<1x64xi32, #tpu.memory_space<vmem>> -> memref<64xi32, #tpu.memory_space<vmem>>
    %dma_start3A_19 = tpu.memref_slice %arg4[%dma_start3A_14, %mul3A_2] : memref<4x2048xi32, #tpu.memory_space<hbm>> -> memref<1x64xi32, #tpu.memory_space<hbm>>
    %dma_start3A_20 = tpu.memref_squeeze %dma_start3A_19 : memref<1x64xi32, #tpu.memory_space<hbm>> -> memref<64xi32, #tpu.memory_space<hbm>>
    %dma_start3A_21 = arith.constant 0 : i32
    %dma_start3A_22 = tpu.memref_slice %arg9[%dma_start3A_15, %dma_start3A_21] : memref<4x64xi32, #tpu.memory_space<vmem>> -> memref<1x64xi32, #tpu.memory_space<vmem>>
    %dma_start3A_23 = tpu.memref_squeeze %dma_start3A_22 : memref<1x64xi32, #tpu.memory_space<vmem>> -> memref<64xi32, #tpu.memory_space<vmem>>
    %dma_start3A_24 = tpu.memref_slice %arg4[%dma_start3A_14, %mul3A_2] : memref<4x2048xi32, #tpu.memory_space<hbm>> -> memref<1x64xi32, #tpu.memory_space<hbm>>
    %dma_start3A_25 = tpu.memref_squeeze %dma_start3A_24 : memref<1x64xi32, #tpu.memory_space<hbm>> -> memref<64xi32, #tpu.memory_space<hbm>>
    tpu.enqueue_dma source(%dma_start3A_25 : memref<64xi32, #tpu.memory_space<hbm>>) target(%dma_start3A_23 : memref<64xi32, #tpu.memory_space<vmem>>) target_semaphore(%arg15 : memref<!tpu.dma_semaphore, #tpu.memory_space<semaphore_mem>>)
    %dma_start3A_26 = arith.constant 1 : i32
    %dma_start3A_27 = arith.constant 1 : i32
    %dma_start3A_28 = arith.constant 0 : i32
    %dma_start3A_29 = tpu.memref_slice %arg8[%dma_start3A_27, %dma_start3A_28] : memref<4x64xi32, #tpu.memory_space<vmem>> -> memref<1x64xi32, #tpu.memory_space<vmem>>
    %dma_start3A_30 = tpu.memref_squeeze %dma_start3A_29 : memref<1x64xi32, #tpu.memory_space<vmem>> -> memref<64xi32, #tpu.memory_space<vmem>>
    %dma_start3A_31 = tpu.memref_slice %arg3[%dma_start3A_26, %mul3A_2] : memref<4x2048xi32, #tpu.memory_space<hbm>> -> memref<1x64xi32, #tpu.memory_space<hbm>>
    %dma_start3A_32 = tpu.memref_squeeze %dma_start3A_31 : memref<1x64xi32, #tpu.memory_space<hbm>> -> memref<64xi32, #tpu.memory_space<hbm>>
    %dma_start3A_33 = arith.constant 0 : i32
    %dma_start3A_34 = tpu.memref_slice %arg8[%dma_start3A_27, %dma_start3A_33] : memref<4x64xi32, #tpu.memory_space<vmem>> -> memref<1x64xi32, #tpu.memory_space<vmem>>
    %dma_start3A_35 = tpu.memref_squeeze %dma_start3A_34 : memref<1x64xi32, #tpu.memory_space<vmem>> -> memref<64xi32, #tpu.memory_space<vmem>>
    %dma_start3A_36 = tpu.memref_slice %arg3[%dma_start3A_26, %mul3A_2] : memref<4x2048xi32, #tpu.memory_space<hbm>> -> memref<1x64xi32, #tpu.memory_space<hbm>>
    %dma_start3A_37 = tpu.memref_squeeze %dma_start3A_36 : memref<1x64xi32, #tpu.memory_space<hbm>> -> memref<64xi32, #tpu.memory_space<hbm>>
    tpu.enqueue_dma source(%dma_start3A_37 : memref<64xi32, #tpu.memory_space<hbm>>) target(%dma_start3A_35 : memref<64xi32, #tpu.memory_space<vmem>>) target_semaphore(%arg14 : memref<!tpu.dma_semaphore, #tpu.memory_space<semaphore_mem>>)
    %dma_start3A_38 = arith.constant 1 : i32
    %dma_start3A_39 = arith.constant 1 : i32
    %dma_start3A_40 = arith.constant 0 : i32
    %dma_start3A_41 = tpu.memref_slice %arg9[%dma_start3A_39, %dma_start3A_40] : memref<4x64xi32, #tpu.memory_space<vmem>> -> memref<1x64xi32, #tpu.memory_space<vmem>>
    %dma_start3A_42 = tpu.memref_squeeze %dma_start3A_41 : memref<1x64xi32, #tpu.memory_space<vmem>> -> memref<64xi32, #tpu.memory_space<vmem>>
    %dma_start3A_43 = tpu.memref_slice %arg4[%dma_start3A_38, %mul3A_2] : memref<4x2048xi32, #tpu.memory_space<hbm>> -> memref<1x64xi32, #tpu.memory_space<hbm>>
    %dma_start3A_44 = tpu.memref_squeeze %dma_start3A_43 : memref<1x64xi32, #tpu.memory_space<hbm>> -> memref<64xi32, #tpu.memory_space<hbm>>
    %dma_start3A_45 = arith.constant 0 : i32
    %dma_start3A_46 = tpu.memref_slice %arg9[%dma_start3A_39, %dma_start3A_45] : memref<4x64xi32, #tpu.memory_space<vmem>> -> memref<1x64xi32, #tpu.memory_space<vmem>>
    %dma_start3A_47 = tpu.memref_squeeze %dma_start3A_46 : memref<1x64xi32, #tpu.memory_space<vmem>> -> memref<64xi32, #tpu.memory_space<vmem>>
    %dma_start3A_48 = tpu.memref_slice %arg4[%dma_start3A_38, %mul3A_2] : memref<4x2048xi32, #tpu.memory_space<hbm>> -> memref<1x64xi32, #tpu.memory_space<hbm>>
    %dma_start3A_49 = tpu.memref_squeeze %dma_start3A_48 : memref<1x64xi32, #tpu.memory_space<hbm>> -> memref<64xi32, #tpu.memory_space<hbm>>
    tpu.enqueue_dma source(%dma_start3A_49 : memref<64xi32, #tpu.memory_space<hbm>>) target(%dma_start3A_47 : memref<64xi32, #tpu.memory_space<vmem>>) target_semaphore(%arg15 : memref<!tpu.dma_semaphore, #tpu.memory_space<semaphore_mem>>)
    %dma_start3A_50 = arith.constant 2 : i32
    %dma_start3A_51 = arith.constant 2 : i32
    %dma_start3A_52 = arith.constant 0 : i32
    %dma_start3A_53 = tpu.memref_slice %arg8[%dma_start3A_51, %dma_start3A_52] : memref<4x64xi32, #tpu.memory_space<vmem>> -> memref<1x64xi32, #tpu.memory_space<vmem>>
    %dma_start3A_54 = tpu.memref_squeeze %dma_start3A_53 : memref<1x64xi32, #tpu.memory_space<vmem>> -> memref<64xi32, #tpu.memory_space<vmem>>
    %dma_start3A_55 = tpu.memref_slice %arg3[%dma_start3A_50, %mul3A_2] : memref<4x2048xi32, #tpu.memory_space<hbm>> -> memref<1x64xi32, #tpu.memory_space<hbm>>
    %dma_start3A_56 = tpu.memref_squeeze %dma_start3A_55 : memref<1x64xi32, #tpu.memory_space<hbm>> -> memref<64xi32, #tpu.memory_space<hbm>>
    %dma_start3A_57 = arith.constant 0 : i32
    %dma_start3A_58 = tpu.memref_slice %arg8[%dma_start3A_51, %dma_start3A_57] : memref<4x64xi32, #tpu.memory_space<vmem>> -> memref<1x64xi32, #tpu.memory_space<vmem>>
    %dma_start3A_59 = tpu.memref_squeeze %dma_start3A_58 : memref<1x64xi32, #tpu.memory_space<vmem>> -> memref<64xi32, #tpu.memory_space<vmem>>
    %dma_start3A_60 = tpu.memref_slice %arg3[%dma_start3A_50, %mul3A_2] : memref<4x2048xi32, #tpu.memory_space<hbm>> -> memref<1x64xi32, #tpu.memory_space<hbm>>
    %dma_start3A_61 = tpu.memref_squeeze %dma_start3A_60 : memref<1x64xi32, #tpu.memory_space<hbm>> -> memref<64xi32, #tpu.memory_space<hbm>>
    tpu.enqueue_dma source(%dma_start3A_61 : memref<64xi32, #tpu.memory_space<hbm>>) target(%dma_start3A_59 : memref<64xi32, #tpu.memory_space<vmem>>) target_semaphore(%arg14 : memref<!tpu.dma_semaphore, #tpu.memory_space<semaphore_mem>>)
    %dma_start3A_62 = arith.constant 2 : i32
    %dma_start3A_63 = arith.constant 2 : i32
    %dma_start3A_64 = arith.constant 0 : i32
    %dma_start3A_65 = tpu.memref_slice %arg9[%dma_start3A_63, %dma_start3A_64] : memref<4x64xi32, #tpu.memory_space<vmem>> -> memref<1x64xi32, #tpu.memory_space<vmem>>
    %dma_start3A_66 = tpu.memref_squeeze %dma_start3A_65 : memref<1x64xi32, #tpu.memory_space<vmem>> -> memref<64xi32, #tpu.memory_space<vmem>>
    %dma_start3A_67 = tpu.memref_slice %arg4[%dma_start3A_62, %mul3A_2] : memref<4x2048xi32, #tpu.memory_space<hbm>> -> memref<1x64xi32, #tpu.memory_space<hbm>>
    %dma_start3A_68 = tpu.memref_squeeze %dma_start3A_67 : memref<1x64xi32, #tpu.memory_space<hbm>> -> memref<64xi32, #tpu.memory_space<hbm>>
    %dma_start3A_69 = arith.constant 0 : i32
    %dma_start3A_70 = tpu.memref_slice %arg9[%dma_start3A_63, %dma_start3A_69] : memref<4x64xi32, #tpu.memory_space<vmem>> -> memref<1x64xi32, #tpu.memory_space<vmem>>
    %dma_start3A_71 = tpu.memref_squeeze %dma_start3A_70 : memref<1x64xi32, #tpu.memory_space<vmem>> -> memref<64xi32, #tpu.memory_space<vmem>>
    %dma_start3A_72 = tpu.memref_slice %arg4[%dma_start3A_62, %mul3A_2] : memref<4x2048xi32, #tpu.memory_space<hbm>> -> memref<1x64xi32, #tpu.memory_space<hbm>>
    %dma_start3A_73 = tpu.memref_squeeze %dma_start3A_72 : memref<1x64xi32, #tpu.memory_space<hbm>> -> memref<64xi32, #tpu.memory_space<hbm>>
    tpu.enqueue_dma source(%dma_start3A_73 : memref<64xi32, #tpu.memory_space<hbm>>) target(%dma_start3A_71 : memref<64xi32, #tpu.memory_space<vmem>>) target_semaphore(%arg15 : memref<!tpu.dma_semaphore, #tpu.memory_space<semaphore_mem>>)
    %dma_start3A_74 = arith.constant 3 : i32
    %dma_start3A_75 = arith.constant 3 : i32
    %dma_start3A_76 = arith.constant 0 : i32
    %dma_start3A_77 = tpu.memref_slice %arg8[%dma_start3A_75, %dma_start3A_76] : memref<4x64xi32, #tpu.memory_space<vmem>> -> memref<1x64xi32, #tpu.memory_space<vmem>>
    %dma_start3A_78 = tpu.memref_squeeze %dma_start3A_77 : memref<1x64xi32, #tpu.memory_space<vmem>> -> memref<64xi32, #tpu.memory_space<vmem>>
    %dma_start3A_79 = tpu.memref_slice %arg3[%dma_start3A_74, %mul3A_2] : memref<4x2048xi32, #tpu.memory_space<hbm>> -> memref<1x64xi32, #tpu.memory_space<hbm>>
    %dma_start3A_80 = tpu.memref_squeeze %dma_start3A_79 : memref<1x64xi32, #tpu.memory_space<hbm>> -> memref<64xi32, #tpu.memory_space<hbm>>
    %dma_start3A_81 = arith.constant 0 : i32
    %dma_start3A_82 = tpu.memref_slice %arg8[%dma_start3A_75, %dma_start3A_81] : memref<4x64xi32, #tpu.memory_space<vmem>> -> memref<1x64xi32, #tpu.memory_space<vmem>>
    %dma_start3A_83 = tpu.memref_squeeze %dma_start3A_82 : memref<1x64xi32, #tpu.memory_space<vmem>> -> memref<64xi32, #tpu.memory_space<vmem>>
    %dma_start3A_84 = tpu.memref_slice %arg3[%dma_start3A_74, %mul3A_2] : memref<4x2048xi32, #tpu.memory_space<hbm>> -> memref<1x64xi32, #tpu.memory_space<hbm>>
    %dma_start3A_85 = tpu.memref_squeeze %dma_start3A_84 : memref<1x64xi32, #tpu.memory_space<hbm>> -> memref<64xi32, #tpu.memory_space<hbm>>
    tpu.enqueue_dma source(%dma_start3A_85 : memref<64xi32, #tpu.memory_space<hbm>>) target(%dma_start3A_83 : memref<64xi32, #tpu.memory_space<vmem>>) target_semaphore(%arg14 : memref<!tpu.dma_semaphore, #tpu.memory_space<semaphore_mem>>)
    %dma_start3A_86 = arith.constant 3 : i32
    %dma_start3A_87 = arith.constant 3 : i32
    %dma_start3A_88 = arith.constant 0 : i32
    %dma_start3A_89 = tpu.memref_slice %arg9[%dma_start3A_87, %dma_start3A_88] : memref<4x64xi32, #tpu.memory_space<vmem>> -> memref<1x64xi32, #tpu.memory_space<vmem>>
    %dma_start3A_90 = tpu.memref_squeeze %dma_start3A_89 : memref<1x64xi32, #tpu.memory_space<vmem>> -> memref<64xi32, #tpu.memory_space<vmem>>
    %dma_start3A_91 = tpu.memref_slice %arg4[%dma_start3A_86, %mul3A_2] : memref<4x2048xi32, #tpu.memory_space<hbm>> -> memref<1x64xi32, #tpu.memory_space<hbm>>
    %dma_start3A_92 = tpu.memref_squeeze %dma_start3A_91 : memref<1x64xi32, #tpu.memory_space<hbm>> -> memref<64xi32, #tpu.memory_space<hbm>>
    %dma_start3A_93 = arith.constant 0 : i32
    %dma_start3A_94 = tpu.memref_slice %arg9[%dma_start3A_87, %dma_start3A_93] : memref<4x64xi32, #tpu.memory_space<vmem>> -> memref<1x64xi32, #tpu.memory_space<vmem>>
    %dma_start3A_95 = tpu.memref_squeeze %dma_start3A_94 : memref<1x64xi32, #tpu.memory_space<vmem>> -> memref<64xi32, #tpu.memory_space<vmem>>
    %dma_start3A_96 = tpu.memref_slice %arg4[%dma_start3A_86, %mul3A_2] : memref<4x2048xi32, #tpu.memory_space<hbm>> -> memref<1x64xi32, #tpu.memory_space<hbm>>
    %dma_start3A_97 = tpu.memref_squeeze %dma_start3A_96 : memref<1x64xi32, #tpu.memory_space<hbm>> -> memref<64xi32, #tpu.memory_space<hbm>>
    tpu.enqueue_dma source(%dma_start3A_97 : memref<64xi32, #tpu.memory_space<hbm>>) target(%dma_start3A_95 : memref<64xi32, #tpu.memory_space<vmem>>) target_semaphore(%arg15 : memref<!tpu.dma_semaphore, #tpu.memory_space<semaphore_mem>>)
    %dma_start3A_98 = arith.constant 0 : i32
    %dma_start3A_99 = tpu.memref_slice %arg5[%mul3A_2, %dma_start3A_98] : memref<2048x128xf32, #tpu.memory_space<hbm>> -> memref<64x128xf32, #tpu.memory_space<hbm>>
    %dma_start3A_100 = arith.constant 0 : i32
    %dma_start3A_101 = tpu.memref_slice %arg5[%mul3A_2, %dma_start3A_100] : memref<2048x128xf32, #tpu.memory_space<hbm>> -> memref<64x128xf32, #tpu.memory_space<hbm>>
    tpu.enqueue_dma source(%dma_start3A_101 : memref<64x128xf32, #tpu.memory_space<hbm>>) target(%arg10 : memref<64x128xf32, #tpu.memory_space<vmem>>) target_semaphore(%arg13 : memref<!tpu.dma_semaphore, #tpu.memory_space<semaphore_mem>>)
    %dma_wait3A = arith.constant 0 : i32
    %dma_wait3A_102 = arith.constant 0 : i32
    %dma_wait3A_103 = arith.constant 0 : i32
    %dma_wait3A_104 = tpu.memref_slice %arg8[%dma_wait3A_102, %dma_wait3A_103] : memref<4x64xi32, #tpu.memory_space<vmem>> -> memref<1x64xi32, #tpu.memory_space<vmem>>
    %dma_wait3A_105 = tpu.memref_squeeze %dma_wait3A_104 : memref<1x64xi32, #tpu.memory_space<vmem>> -> memref<64xi32, #tpu.memory_space<vmem>>
    %dma_wait3A_106 = tpu.memref_slice %arg3[%dma_wait3A, %mul3A_2] : memref<4x2048xi32, #tpu.memory_space<hbm>> -> memref<1x64xi32, #tpu.memory_space<hbm>>
    %dma_wait3A_107 = tpu.memref_squeeze %dma_wait3A_106 : memref<1x64xi32, #tpu.memory_space<hbm>> -> memref<64xi32, #tpu.memory_space<hbm>>
    %dma_wait3A_108 = arith.constant 0 : i32
    %dma_wait3A_109 = tpu.memref_slice %arg8[%dma_wait3A_102, %dma_wait3A_108] : memref<4x64xi32, #tpu.memory_space<vmem>> -> memref<1x64xi32, #tpu.memory_space<vmem>>
    %dma_wait3A_110 = tpu.memref_squeeze %dma_wait3A_109 : memref<1x64xi32, #tpu.memory_space<vmem>> -> memref<64xi32, #tpu.memory_space<vmem>>
    %dma_wait3A_111 = tpu.memref_slice %arg3[%dma_wait3A, %mul3A_2] : memref<4x2048xi32, #tpu.memory_space<hbm>> -> memref<1x64xi32, #tpu.memory_space<hbm>>
    %dma_wait3A_112 = tpu.memref_squeeze %dma_wait3A_111 : memref<1x64xi32, #tpu.memory_space<hbm>> -> memref<64xi32, #tpu.memory_space<hbm>>
    tpu.wait_dma2 semaphore(%arg14 : memref<!tpu.dma_semaphore, #tpu.memory_space<semaphore_mem>>) src(%dma_wait3A_112 : memref<64xi32, #tpu.memory_space<hbm>>) dst(%dma_wait3A_110 : memref<64xi32, #tpu.memory_space<vmem>>)
    %dma_wait3A_113 = arith.constant 0 : i32
    %dma_wait3A_114 = arith.constant 0 : i32
    %dma_wait3A_115 = arith.constant 0 : i32
    %dma_wait3A_116 = tpu.memref_slice %arg9[%dma_wait3A_114, %dma_wait3A_115] : memref<4x64xi32, #tpu.memory_space<vmem>> -> memref<1x64xi32, #tpu.memory_space<vmem>>
    %dma_wait3A_117 = tpu.memref_squeeze %dma_wait3A_116 : memref<1x64xi32, #tpu.memory_space<vmem>> -> memref<64xi32, #tpu.memory_space<vmem>>
    %dma_wait3A_118 = tpu.memref_slice %arg4[%dma_wait3A_113, %mul3A_2] : memref<4x2048xi32, #tpu.memory_space<hbm>> -> memref<1x64xi32, #tpu.memory_space<hbm>>
    %dma_wait3A_119 = tpu.memref_squeeze %dma_wait3A_118 : memref<1x64xi32, #tpu.memory_space<hbm>> -> memref<64xi32, #tpu.memory_space<hbm>>
    %dma_wait3A_120 = arith.constant 0 : i32
    %dma_wait3A_121 = tpu.memref_slice %arg9[%dma_wait3A_114, %dma_wait3A_120] : memref<4x64xi32, #tpu.memory_space<vmem>> -> memref<1x64xi32, #tpu.memory_space<vmem>>
    %dma_wait3A_122 = tpu.memref_squeeze %dma_wait3A_121 : memref<1x64xi32, #tpu.memory_space<vmem>> -> memref<64xi32, #tpu.memory_space<vmem>>
    %dma_wait3A_123 = tpu.memref_slice %arg4[%dma_wait3A_113, %mul3A_2] : memref<4x2048xi32, #tpu.memory_space<hbm>> -> memref<1x64xi32, #tpu.memory_space<hbm>>
    %dma_wait3A_124 = tpu.memref_squeeze %dma_wait3A_123 : memref<1x64xi32, #tpu.memory_space<hbm>> -> memref<64xi32, #tpu.memory_space<hbm>>
    tpu.wait_dma2 semaphore(%arg15 : memref<!tpu.dma_semaphore, #tpu.memory_space<semaphore_mem>>) src(%dma_wait3A_124 : memref<64xi32, #tpu.memory_space<hbm>>) dst(%dma_wait3A_122 : memref<64xi32, #tpu.memory_space<vmem>>)
    %dma_wait3A_125 = arith.constant 1 : i32
    %dma_wait3A_126 = arith.constant 1 : i32
    %dma_wait3A_127 = arith.constant 0 : i32
    %dma_wait3A_128 = tpu.memref_slice %arg8[%dma_wait3A_126, %dma_wait3A_127] : memref<4x64xi32, #tpu.memory_space<vmem>> -> memref<1x64xi32, #tpu.memory_space<vmem>>
    %dma_wait3A_129 = tpu.memref_squeeze %dma_wait3A_128 : memref<1x64xi32, #tpu.memory_space<vmem>> -> memref<64xi32, #tpu.memory_space<vmem>>
    %dma_wait3A_130 = tpu.memref_slice %arg3[%dma_wait3A_125, %mul3A_2] : memref<4x2048xi32, #tpu.memory_space<hbm>> -> memref<1x64xi32, #tpu.memory_space<hbm>>
    %dma_wait3A_131 = tpu.memref_squeeze %dma_wait3A_130 : memref<1x64xi32, #tpu.memory_space<hbm>> -> memref<64xi32, #tpu.memory_space<hbm>>
    %dma_wait3A_132 = arith.constant 0 : i32
    %dma_wait3A_133 = tpu.memref_slice %arg8[%dma_wait3A_126, %dma_wait3A_132] : memref<4x64xi32, #tpu.memory_space<vmem>> -> memref<1x64xi32, #tpu.memory_space<vmem>>
    %dma_wait3A_134 = tpu.memref_squeeze %dma_wait3A_133 : memref<1x64xi32, #tpu.memory_space<vmem>> -> memref<64xi32, #tpu.memory_space<vmem>>
    %dma_wait3A_135 = tpu.memref_slice %arg3[%dma_wait3A_125, %mul3A_2] : memref<4x2048xi32, #tpu.memory_space<hbm>> -> memref<1x64xi32, #tpu.memory_space<hbm>>
    %dma_wait3A_136 = tpu.memref_squeeze %dma_wait3A_135 : memref<1x64xi32, #tpu.memory_space<hbm>> -> memref<64xi32, #tpu.memory_space<hbm>>
    tpu.wait_dma2 semaphore(%arg14 : memref<!tpu.dma_semaphore, #tpu.memory_space<semaphore_mem>>) src(%dma_wait3A_136 : memref<64xi32, #tpu.memory_space<hbm>>) dst(%dma_wait3A_134 : memref<64xi32, #tpu.memory_space<vmem>>)
    %dma_wait3A_137 = arith.constant 1 : i32
    %dma_wait3A_138 = arith.constant 1 : i32
    %dma_wait3A_139 = arith.constant 0 : i32
    %dma_wait3A_140 = tpu.memref_slice %arg9[%dma_wait3A_138, %dma_wait3A_139] : memref<4x64xi32, #tpu.memory_space<vmem>> -> memref<1x64xi32, #tpu.memory_space<vmem>>
    %dma_wait3A_141 = tpu.memref_squeeze %dma_wait3A_140 : memref<1x64xi32, #tpu.memory_space<vmem>> -> memref<64xi32, #tpu.memory_space<vmem>>
    %dma_wait3A_142 = tpu.memref_slice %arg4[%dma_wait3A_137, %mul3A_2] : memref<4x2048xi32, #tpu.memory_space<hbm>> -> memref<1x64xi32, #tpu.memory_space<hbm>>
    %dma_wait3A_143 = tpu.memref_squeeze %dma_wait3A_142 : memref<1x64xi32, #tpu.memory_space<hbm>> -> memref<64xi32, #tpu.memory_space<hbm>>
    %dma_wait3A_144 = arith.constant 0 : i32
    %dma_wait3A_145 = tpu.memref_slice %arg9[%dma_wait3A_138, %dma_wait3A_144] : memref<4x64xi32, #tpu.memory_space<vmem>> -> memref<1x64xi32, #tpu.memory_space<vmem>>
    %dma_wait3A_146 = tpu.memref_squeeze %dma_wait3A_145 : memref<1x64xi32, #tpu.memory_space<vmem>> -> memref<64xi32, #tpu.memory_space<vmem>>
    %dma_wait3A_147 = tpu.memref_slice %arg4[%dma_wait3A_137, %mul3A_2] : memref<4x2048xi32, #tpu.memory_space<hbm>> -> memref<1x64xi32, #tpu.memory_space<hbm>>
    %dma_wait3A_148 = tpu.memref_squeeze %dma_wait3A_147 : memref<1x64xi32, #tpu.memory_space<hbm>> -> memref<64xi32, #tpu.memory_space<hbm>>
    tpu.wait_dma2 semaphore(%arg15 : memref<!tpu.dma_semaphore, #tpu.memory_space<semaphore_mem>>) src(%dma_wait3A_148 : memref<64xi32, #tpu.memory_space<hbm>>) dst(%dma_wait3A_146 : memref<64xi32, #tpu.memory_space<vmem>>)
    %dma_wait3A_149 = arith.constant 2 : i32
    %dma_wait3A_150 = arith.constant 2 : i32
    %dma_wait3A_151 = arith.constant 0 : i32
    %dma_wait3A_152 = tpu.memref_slice %arg8[%dma_wait3A_150, %dma_wait3A_151] : memref<4x64xi32, #tpu.memory_space<vmem>> -> memref<1x64xi32, #tpu.memory_space<vmem>>
    %dma_wait3A_153 = tpu.memref_squeeze %dma_wait3A_152 : memref<1x64xi32, #tpu.memory_space<vmem>> -> memref<64xi32, #tpu.memory_space<vmem>>
    %dma_wait3A_154 = tpu.memref_slice %arg3[%dma_wait3A_149, %mul3A_2] : memref<4x2048xi32, #tpu.memory_space<hbm>> -> memref<1x64xi32, #tpu.memory_space<hbm>>
    %dma_wait3A_155 = tpu.memref_squeeze %dma_wait3A_154 : memref<1x64xi32, #tpu.memory_space<hbm>> -> memref<64xi32, #tpu.memory_space<hbm>>
    %dma_wait3A_156 = arith.constant 0 : i32
    %dma_wait3A_157 = tpu.memref_slice %arg8[%dma_wait3A_150, %dma_wait3A_156] : memref<4x64xi32, #tpu.memory_space<vmem>> -> memref<1x64xi32, #tpu.memory_space<vmem>>
    %dma_wait3A_158 = tpu.memref_squeeze %dma_wait3A_157 : memref<1x64xi32, #tpu.memory_space<vmem>> -> memref<64xi32, #tpu.memory_space<vmem>>
    %dma_wait3A_159 = tpu.memref_slice %arg3[%dma_wait3A_149, %mul3A_2] : memref<4x2048xi32, #tpu.memory_space<hbm>> -> memref<1x64xi32, #tpu.memory_space<hbm>>
    %dma_wait3A_160 = tpu.memref_squeeze %dma_wait3A_159 : memref<1x64xi32, #tpu.memory_space<hbm>> -> memref<64xi32, #tpu.memory_space<hbm>>
    tpu.wait_dma2 semaphore(%arg14 : memref<!tpu.dma_semaphore, #tpu.memory_space<semaphore_mem>>) src(%dma_wait3A_160 : memref<64xi32, #tpu.memory_space<hbm>>) dst(%dma_wait3A_158 : memref<64xi32, #tpu.memory_space<vmem>>)
    %dma_wait3A_161 = arith.constant 2 : i32
    %dma_wait3A_162 = arith.constant 2 : i32
    %dma_wait3A_163 = arith.constant 0 : i32
    %dma_wait3A_164 = tpu.memref_slice %arg9[%dma_wait3A_162, %dma_wait3A_163] : memref<4x64xi32, #tpu.memory_space<vmem>> -> memref<1x64xi32, #tpu.memory_space<vmem>>
    %dma_wait3A_165 = tpu.memref_squeeze %dma_wait3A_164 : memref<1x64xi32, #tpu.memory_space<vmem>> -> memref<64xi32, #tpu.memory_space<vmem>>
    %dma_wait3A_166 = tpu.memref_slice %arg4[%dma_wait3A_161, %mul3A_2] : memref<4x2048xi32, #tpu.memory_space<hbm>> -> memref<1x64xi32, #tpu.memory_space<hbm>>
    %dma_wait3A_167 = tpu.memref_squeeze %dma_wait3A_166 : memref<1x64xi32, #tpu.memory_space<hbm>> -> memref<64xi32, #tpu.memory_space<hbm>>
    %dma_wait3A_168 = arith.constant 0 : i32
    %dma_wait3A_169 = tpu.memref_slice %arg9[%dma_wait3A_162, %dma_wait3A_168] : memref<4x64xi32, #tpu.memory_space<vmem>> -> memref<1x64xi32, #tpu.memory_space<vmem>>
    %dma_wait3A_170 = tpu.memref_squeeze %dma_wait3A_169 : memref<1x64xi32, #tpu.memory_space<vmem>> -> memref<64xi32, #tpu.memory_space<vmem>>
    %dma_wait3A_171 = tpu.memref_slice %arg4[%dma_wait3A_161, %mul3A_2] : memref<4x2048xi32, #tpu.memory_space<hbm>> -> memref<1x64xi32, #tpu.memory_space<hbm>>
    %dma_wait3A_172 = tpu.memref_squeeze %dma_wait3A_171 : memref<1x64xi32, #tpu.memory_space<hbm>> -> memref<64xi32, #tpu.memory_space<hbm>>
    tpu.wait_dma2 semaphore(%arg15 : memref<!tpu.dma_semaphore, #tpu.memory_space<semaphore_mem>>) src(%dma_wait3A_172 : memref<64xi32, #tpu.memory_space<hbm>>) dst(%dma_wait3A_170 : memref<64xi32, #tpu.memory_space<vmem>>)
    %dma_wait3A_173 = arith.constant 3 : i32
    %dma_wait3A_174 = arith.constant 3 : i32
    %dma_wait3A_175 = arith.constant 0 : i32
    %dma_wait3A_176 = tpu.memref_slice %arg8[%dma_wait3A_174, %dma_wait3A_175] : memref<4x64xi32, #tpu.memory_space<vmem>> -> memref<1x64xi32, #tpu.memory_space<vmem>>
    %dma_wait3A_177 = tpu.memref_squeeze %dma_wait3A_176 : memref<1x64xi32, #tpu.memory_space<vmem>> -> memref<64xi32, #tpu.memory_space<vmem>>
    %dma_wait3A_178 = tpu.memref_slice %arg3[%dma_wait3A_173, %mul3A_2] : memref<4x2048xi32, #tpu.memory_space<hbm>> -> memref<1x64xi32, #tpu.memory_space<hbm>>
    %dma_wait3A_179 = tpu.memref_squeeze %dma_wait3A_178 : memref<1x64xi32, #tpu.memory_space<hbm>> -> memref<64xi32, #tpu.memory_space<hbm>>
    %dma_wait3A_180 = arith.constant 0 : i32
    %dma_wait3A_181 = tpu.memref_slice %arg8[%dma_wait3A_174, %dma_wait3A_180] : memref<4x64xi32, #tpu.memory_space<vmem>> -> memref<1x64xi32, #tpu.memory_space<vmem>>
    %dma_wait3A_182 = tpu.memref_squeeze %dma_wait3A_181 : memref<1x64xi32, #tpu.memory_space<vmem>> -> memref<64xi32, #tpu.memory_space<vmem>>
    %dma_wait3A_183 = tpu.memref_slice %arg3[%dma_wait3A_173, %mul3A_2] : memref<4x2048xi32, #tpu.memory_space<hbm>> -> memref<1x64xi32, #tpu.memory_space<hbm>>
    %dma_wait3A_184 = tpu.memref_squeeze %dma_wait3A_183 : memref<1x64xi32, #tpu.memory_space<hbm>> -> memref<64xi32, #tpu.memory_space<hbm>>
    tpu.wait_dma2 semaphore(%arg14 : memref<!tpu.dma_semaphore, #tpu.memory_space<semaphore_mem>>) src(%dma_wait3A_184 : memref<64xi32, #tpu.memory_space<hbm>>) dst(%dma_wait3A_182 : memref<64xi32, #tpu.memory_space<vmem>>)
    %dma_wait3A_185 = arith.constant 3 : i32
    %dma_wait3A_186 = arith.constant 3 : i32
    %dma_wait3A_187 = arith.constant 0 : i32
    %dma_wait3A_188 = tpu.memref_slice %arg9[%dma_wait3A_186, %dma_wait3A_187] : memref<4x64xi32, #tpu.memory_space<vmem>> -> memref<1x64xi32, #tpu.memory_space<vmem>>
    %dma_wait3A_189 = tpu.memref_squeeze %dma_wait3A_188 : memref<1x64xi32, #tpu.memory_space<vmem>> -> memref<64xi32, #tpu.memory_space<vmem>>
    %dma_wait3A_190 = tpu.memref_slice %arg4[%dma_wait3A_185, %mul3A_2] : memref<4x2048xi32, #tpu.memory_space<hbm>> -> memref<1x64xi32, #tpu.memory_space<hbm>>
    %dma_wait3A_191 = tpu.memref_squeeze %dma_wait3A_190 : memref<1x64xi32, #tpu.memory_space<hbm>> -> memref<64xi32, #tpu.memory_space<hbm>>
    %dma_wait3A_192 = arith.constant 0 : i32
    %dma_wait3A_193 = tpu.memref_slice %arg9[%dma_wait3A_186, %dma_wait3A_192] : memref<4x64xi32, #tpu.memory_space<vmem>> -> memref<1x64xi32, #tpu.memory_space<vmem>>
    %dma_wait3A_194 = tpu.memref_squeeze %dma_wait3A_193 : memref<1x64xi32, #tpu.memory_space<vmem>> -> memref<64xi32, #tpu.memory_space<vmem>>
    %dma_wait3A_195 = tpu.memref_slice %arg4[%dma_wait3A_185, %mul3A_2] : memref<4x2048xi32, #tpu.memory_space<hbm>> -> memref<1x64xi32, #tpu.memory_space<hbm>>
    %dma_wait3A_196 = tpu.memref_squeeze %dma_wait3A_195 : memref<1x64xi32, #tpu.memory_space<hbm>> -> memref<64xi32, #tpu.memory_space<hbm>>
    tpu.wait_dma2 semaphore(%arg15 : memref<!tpu.dma_semaphore, #tpu.memory_space<semaphore_mem>>) src(%dma_wait3A_196 : memref<64xi32, #tpu.memory_space<hbm>>) dst(%dma_wait3A_194 : memref<64xi32, #tpu.memory_space<vmem>>)
    %dma_start3A_197 = arith.constant 0 : i32
    %dma_start3A_198 = arith.constant 0 : i32
    %dma_start3A_199 = arith.constant 0 : i32
    %dma_start3A_200 = arith.constant 0 : i32
    %dma_start3A_201 = tpu.memref_slice %arg11[%dma_start3A_198, %dma_start3A_199, %dma_start3A_200] : memref<4x64x128xf32, #tpu.memory_space<vmem>> -> memref<1x64x128xf32, #tpu.memory_space<vmem>>
    %dma_start3A_202 = tpu.memref_squeeze %dma_start3A_201 : memref<1x64x128xf32, #tpu.memory_space<vmem>> -> memref<64x128xf32, #tpu.memory_space<vmem>>
    %dma_start3A_203 = arith.constant 0 : i32
    %dma_start3A_204 = tpu.memref_slice %arg8[%dma_start3A_197, %dma_start3A_203] : memref<4x64xi32, #tpu.memory_space<vmem>> -> memref<1x64xi32, #tpu.memory_space<vmem>>
    %dma_start3A_205 = tpu.memref_squeeze %dma_start3A_204 : memref<1x64xi32, #tpu.memory_space<vmem>> -> memref<64xi32, #tpu.memory_space<vmem>>
    %dma_start3A_206 = arith.constant 0 : i32
    %dma_start3A_207 = arith.constant 0 : i32
    %dma_start3A_208 = tpu.memref_slice %arg2[%dma_start3A_206, %dma_start3A_207] : memref<100000x128xf32, #tpu.memory_space<hbm>> -> memref<100000x128xf32, #tpu.memory_space<hbm>>
    tpu.enqueue_indirect_dma source(%dma_start3A_208 : memref<100000x128xf32, #tpu.memory_space<hbm>>) target(%dma_start3A_202 : memref<64x128xf32, #tpu.memory_space<vmem>>) offsets(%dma_start3A_205 : memref<64xi32, #tpu.memory_space<vmem>>) semaphore(%arg16 : memref<!tpu.dma_semaphore, #tpu.memory_space<semaphore_mem>>)
    %dma_start3A_209 = arith.constant 0 : i32
    %dma_start3A_210 = arith.constant 0 : i32
    %dma_start3A_211 = arith.constant 0 : i32
    %dma_start3A_212 = arith.constant 0 : i32
    %dma_start3A_213 = tpu.memref_slice %arg12[%dma_start3A_210, %dma_start3A_211, %dma_start3A_212] : memref<4x64x128xf32, #tpu.memory_space<vmem>> -> memref<1x64x128xf32, #tpu.memory_space<vmem>>
    %dma_start3A_214 = tpu.memref_squeeze %dma_start3A_213 : memref<1x64x128xf32, #tpu.memory_space<vmem>> -> memref<64x128xf32, #tpu.memory_space<vmem>>
    %dma_start3A_215 = arith.constant 0 : i32
    %dma_start3A_216 = tpu.memref_slice %arg9[%dma_start3A_209, %dma_start3A_215] : memref<4x64xi32, #tpu.memory_space<vmem>> -> memref<1x64xi32, #tpu.memory_space<vmem>>
    %dma_start3A_217 = tpu.memref_squeeze %dma_start3A_216 : memref<1x64xi32, #tpu.memory_space<vmem>> -> memref<64xi32, #tpu.memory_space<vmem>>
    %dma_start3A_218 = arith.constant 0 : i32
    %dma_start3A_219 = arith.constant 0 : i32
    %dma_start3A_220 = tpu.memref_slice %arg2[%dma_start3A_218, %dma_start3A_219] : memref<100000x128xf32, #tpu.memory_space<hbm>> -> memref<100000x128xf32, #tpu.memory_space<hbm>>
    tpu.enqueue_indirect_dma source(%dma_start3A_220 : memref<100000x128xf32, #tpu.memory_space<hbm>>) target(%dma_start3A_214 : memref<64x128xf32, #tpu.memory_space<vmem>>) offsets(%dma_start3A_217 : memref<64xi32, #tpu.memory_space<vmem>>) semaphore(%arg17 : memref<!tpu.dma_semaphore, #tpu.memory_space<semaphore_mem>>)
    %dma_start3A_221 = arith.constant 1 : i32
    %dma_start3A_222 = arith.constant 1 : i32
    %dma_start3A_223 = arith.constant 0 : i32
    %dma_start3A_224 = arith.constant 0 : i32
    %dma_start3A_225 = tpu.memref_slice %arg11[%dma_start3A_222, %dma_start3A_223, %dma_start3A_224] : memref<4x64x128xf32, #tpu.memory_space<vmem>> -> memref<1x64x128xf32, #tpu.memory_space<vmem>>
    %dma_start3A_226 = tpu.memref_squeeze %dma_start3A_225 : memref<1x64x128xf32, #tpu.memory_space<vmem>> -> memref<64x128xf32, #tpu.memory_space<vmem>>
    %dma_start3A_227 = arith.constant 0 : i32
    %dma_start3A_228 = tpu.memref_slice %arg8[%dma_start3A_221, %dma_start3A_227] : memref<4x64xi32, #tpu.memory_space<vmem>> -> memref<1x64xi32, #tpu.memory_space<vmem>>
    %dma_start3A_229 = tpu.memref_squeeze %dma_start3A_228 : memref<1x64xi32, #tpu.memory_space<vmem>> -> memref<64xi32, #tpu.memory_space<vmem>>
    %dma_start3A_230 = arith.constant 0 : i32
    %dma_start3A_231 = arith.constant 0 : i32
    %dma_start3A_232 = tpu.memref_slice %arg2[%dma_start3A_230, %dma_start3A_231] : memref<100000x128xf32, #tpu.memory_space<hbm>> -> memref<100000x128xf32, #tpu.memory_space<hbm>>
    tpu.enqueue_indirect_dma source(%dma_start3A_232 : memref<100000x128xf32, #tpu.memory_space<hbm>>) target(%dma_start3A_226 : memref<64x128xf32, #tpu.memory_space<vmem>>) offsets(%dma_start3A_229 : memref<64xi32, #tpu.memory_space<vmem>>) semaphore(%arg18 : memref<!tpu.dma_semaphore, #tpu.memory_space<semaphore_mem>>)
    %dma_start3A_233 = arith.constant 1 : i32
    %dma_start3A_234 = arith.constant 1 : i32
    %dma_start3A_235 = arith.constant 0 : i32
    %dma_start3A_236 = arith.constant 0 : i32
    %dma_start3A_237 = tpu.memref_slice %arg12[%dma_start3A_234, %dma_start3A_235, %dma_start3A_236] : memref<4x64x128xf32, #tpu.memory_space<vmem>> -> memref<1x64x128xf32, #tpu.memory_space<vmem>>
    %dma_start3A_238 = tpu.memref_squeeze %dma_start3A_237 : memref<1x64x128xf32, #tpu.memory_space<vmem>> -> memref<64x128xf32, #tpu.memory_space<vmem>>
    %dma_start3A_239 = arith.constant 0 : i32
    %dma_start3A_240 = tpu.memref_slice %arg9[%dma_start3A_233, %dma_start3A_239] : memref<4x64xi32, #tpu.memory_space<vmem>> -> memref<1x64xi32, #tpu.memory_space<vmem>>
    %dma_start3A_241 = tpu.memref_squeeze %dma_start3A_240 : memref<1x64xi32, #tpu.memory_space<vmem>> -> memref<64xi32, #tpu.memory_space<vmem>>
    %dma_start3A_242 = arith.constant 0 : i32
    %dma_start3A_243 = arith.constant 0 : i32
    %dma_start3A_244 = tpu.memref_slice %arg2[%dma_start3A_242, %dma_start3A_243] : memref<100000x128xf32, #tpu.memory_space<hbm>> -> memref<100000x128xf32, #tpu.memory_space<hbm>>
    tpu.enqueue_indirect_dma source(%dma_start3A_244 : memref<100000x128xf32, #tpu.memory_space<hbm>>) target(%dma_start3A_238 : memref<64x128xf32, #tpu.memory_space<vmem>>) offsets(%dma_start3A_241 : memref<64xi32, #tpu.memory_space<vmem>>) semaphore(%arg19 : memref<!tpu.dma_semaphore, #tpu.memory_space<semaphore_mem>>)
    %dma_start3A_245 = arith.constant 2 : i32
    %dma_start3A_246 = arith.constant 2 : i32
    %dma_start3A_247 = arith.constant 0 : i32
    %dma_start3A_248 = arith.constant 0 : i32
    %dma_start3A_249 = tpu.memref_slice %arg11[%dma_start3A_246, %dma_start3A_247, %dma_start3A_248] : memref<4x64x128xf32, #tpu.memory_space<vmem>> -> memref<1x64x128xf32, #tpu.memory_space<vmem>>
    %dma_start3A_250 = tpu.memref_squeeze %dma_start3A_249 : memref<1x64x128xf32, #tpu.memory_space<vmem>> -> memref<64x128xf32, #tpu.memory_space<vmem>>
    %dma_start3A_251 = arith.constant 0 : i32
    %dma_start3A_252 = tpu.memref_slice %arg8[%dma_start3A_245, %dma_start3A_251] : memref<4x64xi32, #tpu.memory_space<vmem>> -> memref<1x64xi32, #tpu.memory_space<vmem>>
    %dma_start3A_253 = tpu.memref_squeeze %dma_start3A_252 : memref<1x64xi32, #tpu.memory_space<vmem>> -> memref<64xi32, #tpu.memory_space<vmem>>
    %dma_start3A_254 = arith.constant 0 : i32
    %dma_start3A_255 = arith.constant 0 : i32
    %dma_start3A_256 = tpu.memref_slice %arg2[%dma_start3A_254, %dma_start3A_255] : memref<100000x128xf32, #tpu.memory_space<hbm>> -> memref<100000x128xf32, #tpu.memory_space<hbm>>
    tpu.enqueue_indirect_dma source(%dma_start3A_256 : memref<100000x128xf32, #tpu.memory_space<hbm>>) target(%dma_start3A_250 : memref<64x128xf32, #tpu.memory_space<vmem>>) offsets(%dma_start3A_253 : memref<64xi32, #tpu.memory_space<vmem>>) semaphore(%arg20 : memref<!tpu.dma_semaphore, #tpu.memory_space<semaphore_mem>>)
    %dma_start3A_257 = arith.constant 2 : i32
    %dma_start3A_258 = arith.constant 2 : i32
    %dma_start3A_259 = arith.constant 0 : i32
    %dma_start3A_260 = arith.constant 0 : i32
    %dma_start3A_261 = tpu.memref_slice %arg12[%dma_start3A_258, %dma_start3A_259, %dma_start3A_260] : memref<4x64x128xf32, #tpu.memory_space<vmem>> -> memref<1x64x128xf32, #tpu.memory_space<vmem>>
    %dma_start3A_262 = tpu.memref_squeeze %dma_start3A_261 : memref<1x64x128xf32, #tpu.memory_space<vmem>> -> memref<64x128xf32, #tpu.memory_space<vmem>>
    %dma_start3A_263 = arith.constant 0 : i32
    %dma_start3A_264 = tpu.memref_slice %arg9[%dma_start3A_257, %dma_start3A_263] : memref<4x64xi32, #tpu.memory_space<vmem>> -> memref<1x64xi32, #tpu.memory_space<vmem>>
    %dma_start3A_265 = tpu.memref_squeeze %dma_start3A_264 : memref<1x64xi32, #tpu.memory_space<vmem>> -> memref<64xi32, #tpu.memory_space<vmem>>
    %dma_start3A_266 = arith.constant 0 : i32
    %dma_start3A_267 = arith.constant 0 : i32
    %dma_start3A_268 = tpu.memref_slice %arg2[%dma_start3A_266, %dma_start3A_267] : memref<100000x128xf32, #tpu.memory_space<hbm>> -> memref<100000x128xf32, #tpu.memory_space<hbm>>
    tpu.enqueue_indirect_dma source(%dma_start3A_268 : memref<100000x128xf32, #tpu.memory_space<hbm>>) target(%dma_start3A_262 : memref<64x128xf32, #tpu.memory_space<vmem>>) offsets(%dma_start3A_265 : memref<64xi32, #tpu.memory_space<vmem>>) semaphore(%arg21 : memref<!tpu.dma_semaphore, #tpu.memory_space<semaphore_mem>>)
    %dma_start3A_269 = arith.constant 3 : i32
    %dma_start3A_270 = arith.constant 3 : i32
    %dma_start3A_271 = arith.constant 0 : i32
    %dma_start3A_272 = arith.constant 0 : i32
    %dma_start3A_273 = tpu.memref_slice %arg11[%dma_start3A_270, %dma_start3A_271, %dma_start3A_272] : memref<4x64x128xf32, #tpu.memory_space<vmem>> -> memref<1x64x128xf32, #tpu.memory_space<vmem>>
    %dma_start3A_274 = tpu.memref_squeeze %dma_start3A_273 : memref<1x64x128xf32, #tpu.memory_space<vmem>> -> memref<64x128xf32, #tpu.memory_space<vmem>>
    %dma_start3A_275 = arith.constant 0 : i32
    %dma_start3A_276 = tpu.memref_slice %arg8[%dma_start3A_269, %dma_start3A_275] : memref<4x64xi32, #tpu.memory_space<vmem>> -> memref<1x64xi32, #tpu.memory_space<vmem>>
    %dma_start3A_277 = tpu.memref_squeeze %dma_start3A_276 : memref<1x64xi32, #tpu.memory_space<vmem>> -> memref<64xi32, #tpu.memory_space<vmem>>
    %dma_start3A_278 = arith.constant 0 : i32
    %dma_start3A_279 = arith.constant 0 : i32
    %dma_start3A_280 = tpu.memref_slice %arg2[%dma_start3A_278, %dma_start3A_279] : memref<100000x128xf32, #tpu.memory_space<hbm>> -> memref<100000x128xf32, #tpu.memory_space<hbm>>
    tpu.enqueue_indirect_dma source(%dma_start3A_280 : memref<100000x128xf32, #tpu.memory_space<hbm>>) target(%dma_start3A_274 : memref<64x128xf32, #tpu.memory_space<vmem>>) offsets(%dma_start3A_277 : memref<64xi32, #tpu.memory_space<vmem>>) semaphore(%arg22 : memref<!tpu.dma_semaphore, #tpu.memory_space<semaphore_mem>>)
    %dma_start3A_281 = arith.constant 3 : i32
    %dma_start3A_282 = arith.constant 3 : i32
    %dma_start3A_283 = arith.constant 0 : i32
    %dma_start3A_284 = arith.constant 0 : i32
    %dma_start3A_285 = tpu.memref_slice %arg12[%dma_start3A_282, %dma_start3A_283, %dma_start3A_284] : memref<4x64x128xf32, #tpu.memory_space<vmem>> -> memref<1x64x128xf32, #tpu.memory_space<vmem>>
    %dma_start3A_286 = tpu.memref_squeeze %dma_start3A_285 : memref<1x64x128xf32, #tpu.memory_space<vmem>> -> memref<64x128xf32, #tpu.memory_space<vmem>>
    %dma_start3A_287 = arith.constant 0 : i32
    %dma_start3A_288 = tpu.memref_slice %arg9[%dma_start3A_281, %dma_start3A_287] : memref<4x64xi32, #tpu.memory_space<vmem>> -> memref<1x64xi32, #tpu.memory_space<vmem>>
    %dma_start3A_289 = tpu.memref_squeeze %dma_start3A_288 : memref<1x64xi32, #tpu.memory_space<vmem>> -> memref<64xi32, #tpu.memory_space<vmem>>
    %dma_start3A_290 = arith.constant 0 : i32
    %dma_start3A_291 = arith.constant 0 : i32
    %dma_start3A_292 = tpu.memref_slice %arg2[%dma_start3A_290, %dma_start3A_291] : memref<100000x128xf32, #tpu.memory_space<hbm>> -> memref<100000x128xf32, #tpu.memory_space<hbm>>
    tpu.enqueue_indirect_dma source(%dma_start3A_292 : memref<100000x128xf32, #tpu.memory_space<hbm>>) target(%dma_start3A_286 : memref<64x128xf32, #tpu.memory_space<vmem>>) offsets(%dma_start3A_289 : memref<64xi32, #tpu.memory_space<vmem>>) semaphore(%arg23 : memref<!tpu.dma_semaphore, #tpu.memory_space<semaphore_mem>>)
    %dma_wait3A_293 = arith.constant 0 : i32
    %dma_wait3A_294 = tpu.memref_slice %arg5[%mul3A_2, %dma_wait3A_293] : memref<2048x128xf32, #tpu.memory_space<hbm>> -> memref<64x128xf32, #tpu.memory_space<hbm>>
    %dma_wait3A_295 = arith.constant 0 : i32
    %dma_wait3A_296 = tpu.memref_slice %arg5[%mul3A_2, %dma_wait3A_295] : memref<2048x128xf32, #tpu.memory_space<hbm>> -> memref<64x128xf32, #tpu.memory_space<hbm>>
    tpu.wait_dma2 semaphore(%arg13 : memref<!tpu.dma_semaphore, #tpu.memory_space<semaphore_mem>>) src(%dma_wait3A_296 : memref<64x128xf32, #tpu.memory_space<hbm>>) dst(%arg10 : memref<64x128xf32, #tpu.memory_space<vmem>>)
    %dma_wait3A_297 = arith.constant 0 : i32
    %dma_wait3A_298 = arith.constant 0 : i32
    %dma_wait3A_299 = arith.constant 0 : i32
    %dma_wait3A_300 = arith.constant 0 : i32
    %dma_wait3A_301 = tpu.memref_slice %arg11[%dma_wait3A_298, %dma_wait3A_299, %dma_wait3A_300] : memref<4x64x128xf32, #tpu.memory_space<vmem>> -> memref<1x64x128xf32, #tpu.memory_space<vmem>>
    %dma_wait3A_302 = tpu.memref_squeeze %dma_wait3A_301 : memref<1x64x128xf32, #tpu.memory_space<vmem>> -> memref<64x128xf32, #tpu.memory_space<vmem>>
    %dma_wait3A_303 = arith.constant 0 : i32
    %dma_wait3A_304 = tpu.memref_slice %arg8[%dma_wait3A_297, %dma_wait3A_303] : memref<4x64xi32, #tpu.memory_space<vmem>> -> memref<1x64xi32, #tpu.memory_space<vmem>>
    %dma_wait3A_305 = tpu.memref_squeeze %dma_wait3A_304 : memref<1x64xi32, #tpu.memory_space<vmem>> -> memref<64xi32, #tpu.memory_space<vmem>>
    %dma_wait3A_306 = arith.constant 0 : i32
    %dma_wait3A_307 = arith.constant 0 : i32
    %dma_wait3A_308 = tpu.memref_slice %arg2[%dma_wait3A_306, %dma_wait3A_307] : memref<100000x128xf32, #tpu.memory_space<hbm>> -> memref<100000x128xf32, #tpu.memory_space<hbm>>
    tpu.wait_indirect_dma semaphore(%arg16 : memref<!tpu.dma_semaphore, #tpu.memory_space<semaphore_mem>>) src(%dma_wait3A_308 : memref<100000x128xf32, #tpu.memory_space<hbm>>) dst(%dma_wait3A_302 : memref<64x128xf32, #tpu.memory_space<vmem>>)
    %dma_wait3A_309 = arith.constant 0 : i32
    %dma_wait3A_310 = arith.constant 0 : i32
    %dma_wait3A_311 = arith.constant 0 : i32
    %dma_wait3A_312 = arith.constant 0 : i32
    %dma_wait3A_313 = tpu.memref_slice %arg12[%dma_wait3A_310, %dma_wait3A_311, %dma_wait3A_312] : memref<4x64x128xf32, #tpu.memory_space<vmem>> -> memref<1x64x128xf32, #tpu.memory_space<vmem>>
    %dma_wait3A_314 = tpu.memref_squeeze %dma_wait3A_313 : memref<1x64x128xf32, #tpu.memory_space<vmem>> -> memref<64x128xf32, #tpu.memory_space<vmem>>
    %dma_wait3A_315 = arith.constant 0 : i32
    %dma_wait3A_316 = tpu.memref_slice %arg9[%dma_wait3A_309, %dma_wait3A_315] : memref<4x64xi32, #tpu.memory_space<vmem>> -> memref<1x64xi32, #tpu.memory_space<vmem>>
    %dma_wait3A_317 = tpu.memref_squeeze %dma_wait3A_316 : memref<1x64xi32, #tpu.memory_space<vmem>> -> memref<64xi32, #tpu.memory_space<vmem>>
    %dma_wait3A_318 = arith.constant 0 : i32
    %dma_wait3A_319 = arith.constant 0 : i32
    %dma_wait3A_320 = tpu.memref_slice %arg2[%dma_wait3A_318, %dma_wait3A_319] : memref<100000x128xf32, #tpu.memory_space<hbm>> -> memref<100000x128xf32, #tpu.memory_space<hbm>>
    tpu.wait_indirect_dma semaphore(%arg17 : memref<!tpu.dma_semaphore, #tpu.memory_space<semaphore_mem>>) src(%dma_wait3A_320 : memref<100000x128xf32, #tpu.memory_space<hbm>>) dst(%dma_wait3A_314 : memref<64x128xf32, #tpu.memory_space<vmem>>)
    %parallel_loop3A = arith.constant 0 : i32
    %parallel_loop3A_321 = arith.constant 64 : i32
    %parallel_loop3A_322 = arith.constant 1 : i32
    scf.for %parallel_loop3A_660 = %parallel_loop3A to %parallel_loop3A_321 step %parallel_loop3A_322  : i32 {
      %parallel_loop3A_661 = arith.constant 0 : i32
      %parallel_loop3A_662 = arith.addi %parallel_loop3A_660, %parallel_loop3A_661 : i32
      %parallel_loop3A_663 = arith.index_cast %parallel_loop3A_662 : i32 to index
      %parallel_loop3A_664 = arith.constant 0 : index
      %parallel_loop3A_665 = tpu.vector_load %arg10[%parallel_loop3A_663, %parallel_loop3A_664] {strides = array<i32>} : memref<64x128xf32, #tpu.memory_space<vmem>>, vector<1x16xf32>,
      %parallel_loop3A_666 = vector.shape_cast %parallel_loop3A_665 : vector<1x16xf32> to vector<16xf32>
      %parallel_loop3A_667 = arith.constant 0 : i32
      %parallel_loop3A_668 = arith.addi %parallel_loop3A_660, %parallel_loop3A_667 : i32
      %parallel_loop3A_669 = arith.constant 0 : i32
      %parallel_loop3A_670 = arith.index_cast %parallel_loop3A_669 : i32 to index
      %parallel_loop3A_671 = arith.index_cast %parallel_loop3A_668 : i32 to index
      %parallel_loop3A_672 = arith.constant 0 : index
      %parallel_loop3A_673 = tpu.vector_load %arg11[%parallel_loop3A_670, %parallel_loop3A_671, %parallel_loop3A_672] {strides = array<i32>} : memref<4x64x128xf32, #tpu.memory_space<vmem>>, vector<1x1x16xf32>,
      %parallel_loop3A_674 = vector.shape_cast %parallel_loop3A_673 : vector<1x1x16xf32> to vector<16xf32>
      %parallel_loop3A_675 = vector.shape_cast %parallel_loop3A_666 : vector<16xf32> to vector<1x1x16xf32>
      tpu.vector_store %arg11[%parallel_loop3A_670, %parallel_loop3A_671, %parallel_loop3A_672], %parallel_loop3A_675 {add = true, strides = array<i32>} : memref<4x64x128xf32, #tpu.memory_space<vmem>>, vector<1x1x16xf32>,
      %parallel_loop3A_676 = arith.constant 0 : i32
      %parallel_loop3A_677 = arith.addi %parallel_loop3A_660, %parallel_loop3A_676 : i32
      %parallel_loop3A_678 = arith.constant 0 : i32
      %parallel_loop3A_679 = arith.index_cast %parallel_loop3A_678 : i32 to index
      %parallel_loop3A_680 = arith.index_cast %parallel_loop3A_677 : i32 to index
      %parallel_loop3A_681 = arith.constant 0 : index
      %parallel_loop3A_682 = tpu.vector_load %arg12[%parallel_loop3A_679, %parallel_loop3A_680, %parallel_loop3A_681] {strides = array<i32>} : memref<4x64x128xf32, #tpu.memory_space<vmem>>, vector<1x1x16xf32>,
      %parallel_loop3A_683 = vector.shape_cast %parallel_loop3A_682 : vector<1x1x16xf32> to vector<16xf32>
      %parallel_loop3A_684 = vector.shape_cast %parallel_loop3A_666 : vector<16xf32> to vector<1x1x16xf32>
      tpu.vector_store %arg12[%parallel_loop3A_679, %parallel_loop3A_680, %parallel_loop3A_681], %parallel_loop3A_684 {add = true, strides = array<i32>} : memref<4x64x128xf32, #tpu.memory_space<vmem>>, vector<1x1x16xf32>,
      %parallel_loop3A_685 = arith.constant 0 : i32
      %parallel_loop3A_686 = arith.addi %parallel_loop3A_660, %parallel_loop3A_685 : i32
      %parallel_loop3A_687 = arith.index_cast %parallel_loop3A_686 : i32 to index
      %parallel_loop3A_688 = arith.constant 16 : index
      %parallel_loop3A_689 = tpu.vector_load %arg10[%parallel_loop3A_687, %parallel_loop3A_688] {strides = array<i32>} : memref<64x128xf32, #tpu.memory_space<vmem>>, vector<1x16xf32>,
      %parallel_loop3A_690 = vector.shape_cast %parallel_loop3A_689 : vector<1x16xf32> to vector<16xf32>
      %parallel_loop3A_691 = arith.constant 0 : i32
      %parallel_loop3A_692 = arith.addi %parallel_loop3A_660, %parallel_loop3A_691 : i32
      %parallel_loop3A_693 = arith.constant 0 : i32
      %parallel_loop3A_694 = arith.index_cast %parallel_loop3A_693 : i32 to index
      %parallel_loop3A_695 = arith.index_cast %parallel_loop3A_692 : i32 to index
      %parallel_loop3A_696 = arith.constant 16 : index
      %parallel_loop3A_697 = tpu.vector_load %arg11[%parallel_loop3A_694, %parallel_loop3A_695, %parallel_loop3A_696] {strides = array<i32>} : memref<4x64x128xf32, #tpu.memory_space<vmem>>, vector<1x1x16xf32>,
      %parallel_loop3A_698 = vector.shape_cast %parallel_loop3A_697 : vector<1x1x16xf32> to vector<16xf32>
      %parallel_loop3A_699 = vector.shape_cast %parallel_loop3A_690 : vector<16xf32> to vector<1x1x16xf32>
      tpu.vector_store %arg11[%parallel_loop3A_694, %parallel_loop3A_695, %parallel_loop3A_696], %parallel_loop3A_699 {add = true, strides = array<i32>} : memref<4x64x128xf32, #tpu.memory_space<vmem>>, vector<1x1x16xf32>,
      %parallel_loop3A_700 = arith.constant 0 : i32
      %parallel_loop3A_701 = arith.addi %parallel_loop3A_660, %parallel_loop3A_700 : i32
      %parallel_loop3A_702 = arith.constant 0 : i32
      %parallel_loop3A_703 = arith.index_cast %parallel_loop3A_702 : i32 to index
      %parallel_loop3A_704 = arith.index_cast %parallel_loop3A_701 : i32 to index
      %parallel_loop3A_705 = arith.constant 16 : index
      %parallel_loop3A_706 = tpu.vector_load %arg12[%parallel_loop3A_703, %parallel_loop3A_704, %parallel_loop3A_705] {strides = array<i32>} : memref<4x64x128xf32, #tpu.memory_space<vmem>>, vector<1x1x16xf32>,
      %parallel_loop3A_707 = vector.shape_cast %parallel_loop3A_706 : vector<1x1x16xf32> to vector<16xf32>
      %parallel_loop3A_708 = vector.shape_cast %parallel_loop3A_690 : vector<16xf32> to vector<1x1x16xf32>
      tpu.vector_store %arg12[%parallel_loop3A_703, %parallel_loop3A_704, %parallel_loop3A_705], %parallel_loop3A_708 {add = true, strides = array<i32>} : memref<4x64x128xf32, #tpu.memory_space<vmem>>, vector<1x1x16xf32>,
      %parallel_loop3A_709 = arith.constant 0 : i32
      %parallel_loop3A_710 = arith.addi %parallel_loop3A_660, %parallel_loop3A_709 : i32
      %parallel_loop3A_711 = arith.index_cast %parallel_loop3A_710 : i32 to index
      %parallel_loop3A_712 = arith.constant 32 : index
      %parallel_loop3A_713 = tpu.vector_load %arg10[%parallel_loop3A_711, %parallel_loop3A_712] {strides = array<i32>} : memref<64x128xf32, #tpu.memory_space<vmem>>, vector<1x16xf32>,
      %parallel_loop3A_714 = vector.shape_cast %parallel_loop3A_713 : vector<1x16xf32> to vector<16xf32>
      %parallel_loop3A_715 = arith.constant 0 : i32
      %parallel_loop3A_716 = arith.addi %parallel_loop3A_660, %parallel_loop3A_715 : i32
      %parallel_loop3A_717 = arith.constant 0 : i32
      %parallel_loop3A_718 = arith.index_cast %parallel_loop3A_717 : i32 to index
      %parallel_loop3A_719 = arith.index_cast %parallel_loop3A_716 : i32 to index
      %parallel_loop3A_720 = arith.constant 32 : index
      %parallel_loop3A_721 = tpu.vector_load %arg11[%parallel_loop3A_718, %parallel_loop3A_719, %parallel_loop3A_720] {strides = array<i32>} : memref<4x64x128xf32, #tpu.memory_space<vmem>>, vector<1x1x16xf32>,
      %parallel_loop3A_722 = vector.shape_cast %parallel_loop3A_721 : vector<1x1x16xf32> to vector<16xf32>
      %parallel_loop3A_723 = vector.shape_cast %parallel_loop3A_714 : vector<16xf32> to vector<1x1x16xf32>
      tpu.vector_store %arg11[%parallel_loop3A_718, %parallel_loop3A_719, %parallel_loop3A_720], %parallel_loop3A_723 {add = true, strides = array<i32>} : memref<4x64x128xf32, #tpu.memory_space<vmem>>, vector<1x1x16xf32>,
      %parallel_loop3A_724 = arith.constant 0 : i32
      %parallel_loop3A_725 = arith.addi %parallel_loop3A_660, %parallel_loop3A_724 : i32
      %parallel_loop3A_726 = arith.constant 0 : i32
      %parallel_loop3A_727 = arith.index_cast %parallel_loop3A_726 : i32 to index
      %parallel_loop3A_728 = arith.index_cast %parallel_loop3A_725 : i32 to index
      %parallel_loop3A_729 = arith.constant 32 : index
      %parallel_loop3A_730 = tpu.vector_load %arg12[%parallel_loop3A_727, %parallel_loop3A_728, %parallel_loop3A_729] {strides = array<i32>} : memref<4x64x128xf32, #tpu.memory_space<vmem>>, vector<1x1x16xf32>,
      %parallel_loop3A_731 = vector.shape_cast %parallel_loop3A_730 : vector<1x1x16xf32> to vector<16xf32>
      %parallel_loop3A_732 = vector.shape_cast %parallel_loop3A_714 : vector<16xf32> to vector<1x1x16xf32>
      tpu.vector_store %arg12[%parallel_loop3A_727, %parallel_loop3A_728, %parallel_loop3A_729], %parallel_loop3A_732 {add = true, strides = array<i32>} : memref<4x64x128xf32, #tpu.memory_space<vmem>>, vector<1x1x16xf32>,
      %parallel_loop3A_733 = arith.constant 0 : i32
      %parallel_loop3A_734 = arith.addi %parallel_loop3A_660, %parallel_loop3A_733 : i32
      %parallel_loop3A_735 = arith.index_cast %parallel_loop3A_734 : i32 to index
      %parallel_loop3A_736 = arith.constant 48 : index
      %parallel_loop3A_737 = tpu.vector_load %arg10[%parallel_loop3A_735, %parallel_loop3A_736] {strides = array<i32>} : memref<64x128xf32, #tpu.memory_space<vmem>>, vector<1x16xf32>,
      %parallel_loop3A_738 = vector.shape_cast %parallel_loop3A_737 : vector<1x16xf32> to vector<16xf32>
      %parallel_loop3A_739 = arith.constant 0 : i32
      %parallel_loop3A_740 = arith.addi %parallel_loop3A_660, %parallel_loop3A_739 : i32
      %parallel_loop3A_741 = arith.constant 0 : i32
      %parallel_loop3A_742 = arith.index_cast %parallel_loop3A_741 : i32 to index
      %parallel_loop3A_743 = arith.index_cast %parallel_loop3A_740 : i32 to index
      %parallel_loop3A_744 = arith.constant 48 : index
      %parallel_loop3A_745 = tpu.vector_load %arg11[%parallel_loop3A_742, %parallel_loop3A_743, %parallel_loop3A_744] {strides = array<i32>} : memref<4x64x128xf32, #tpu.memory_space<vmem>>, vector<1x1x16xf32>,
      %parallel_loop3A_746 = vector.shape_cast %parallel_loop3A_745 : vector<1x1x16xf32> to vector<16xf32>
      %parallel_loop3A_747 = vector.shape_cast %parallel_loop3A_738 : vector<16xf32> to vector<1x1x16xf32>
      tpu.vector_store %arg11[%parallel_loop3A_742, %parallel_loop3A_743, %parallel_loop3A_744], %parallel_loop3A_747 {add = true, strides = array<i32>} : memref<4x64x128xf32, #tpu.memory_space<vmem>>, vector<1x1x16xf32>,
      %parallel_loop3A_748 = arith.constant 0 : i32
      %parallel_loop3A_749 = arith.addi %parallel_loop3A_660, %parallel_loop3A_748 : i32
      %parallel_loop3A_750 = arith.constant 0 : i32
      %parallel_loop3A_751 = arith.index_cast %parallel_loop3A_750 : i32 to index
      %parallel_loop3A_752 = arith.index_cast %parallel_loop3A_749 : i32 to index
      %parallel_loop3A_753 = arith.constant 48 : index
      %parallel_loop3A_754 = tpu.vector_load %arg12[%parallel_loop3A_751, %parallel_loop3A_752, %parallel_loop3A_753] {strides = array<i32>} : memref<4x64x128xf32, #tpu.memory_space<vmem>>, vector<1x1x16xf32>,
      %parallel_loop3A_755 = vector.shape_cast %parallel_loop3A_754 : vector<1x1x16xf32> to vector<16xf32>
      %parallel_loop3A_756 = vector.shape_cast %parallel_loop3A_738 : vector<16xf32> to vector<1x1x16xf32>
      tpu.vector_store %arg12[%parallel_loop3A_751, %parallel_loop3A_752, %parallel_loop3A_753], %parallel_loop3A_756 {add = true, strides = array<i32>} : memref<4x64x128xf32, #tpu.memory_space<vmem>>, vector<1x1x16xf32>,
      %parallel_loop3A_757 = arith.constant 0 : i32
      %parallel_loop3A_758 = arith.addi %parallel_loop3A_660, %parallel_loop3A_757 : i32
      %parallel_loop3A_759 = arith.index_cast %parallel_loop3A_758 : i32 to index
      %parallel_loop3A_760 = arith.constant 64 : index
      %parallel_loop3A_761 = tpu.vector_load %arg10[%parallel_loop3A_759, %parallel_loop3A_760] {strides = array<i32>} : memref<64x128xf32, #tpu.memory_space<vmem>>, vector<1x16xf32>,
      %parallel_loop3A_762 = vector.shape_cast %parallel_loop3A_761 : vector<1x16xf32> to vector<16xf32>
      %parallel_loop3A_763 = arith.constant 0 : i32
      %parallel_loop3A_764 = arith.addi %parallel_loop3A_660, %parallel_loop3A_763 : i32
      %parallel_loop3A_765 = arith.constant 0 : i32
      %parallel_loop3A_766 = arith.index_cast %parallel_loop3A_765 : i32 to index
      %parallel_loop3A_767 = arith.index_cast %parallel_loop3A_764 : i32 to index
      %parallel_loop3A_768 = arith.constant 64 : index
      %parallel_loop3A_769 = tpu.vector_load %arg11[%parallel_loop3A_766, %parallel_loop3A_767, %parallel_loop3A_768] {strides = array<i32>} : memref<4x64x128xf32, #tpu.memory_space<vmem>>, vector<1x1x16xf32>,
      %parallel_loop3A_770 = vector.shape_cast %parallel_loop3A_769 : vector<1x1x16xf32> to vector<16xf32>
      %parallel_loop3A_771 = vector.shape_cast %parallel_loop3A_762 : vector<16xf32> to vector<1x1x16xf32>
      tpu.vector_store %arg11[%parallel_loop3A_766, %parallel_loop3A_767, %parallel_loop3A_768], %parallel_loop3A_771 {add = true, strides = array<i32>} : memref<4x64x128xf32, #tpu.memory_space<vmem>>, vector<1x1x16xf32>,
      %parallel_loop3A_772 = arith.constant 0 : i32
      %parallel_loop3A_773 = arith.addi %parallel_loop3A_660, %parallel_loop3A_772 : i32
      %parallel_loop3A_774 = arith.constant 0 : i32
      %parallel_loop3A_775 = arith.index_cast %parallel_loop3A_774 : i32 to index
      %parallel_loop3A_776 = arith.index_cast %parallel_loop3A_773 : i32 to index
      %parallel_loop3A_777 = arith.constant 64 : index
      %parallel_loop3A_778 = tpu.vector_load %arg12[%parallel_loop3A_775, %parallel_loop3A_776, %parallel_loop3A_777] {strides = array<i32>} : memref<4x64x128xf32, #tpu.memory_space<vmem>>, vector<1x1x16xf32>,
      %parallel_loop3A_779 = vector.shape_cast %parallel_loop3A_778 : vector<1x1x16xf32> to vector<16xf32>
      %parallel_loop3A_780 = vector.shape_cast %parallel_loop3A_762 : vector<16xf32> to vector<1x1x16xf32>
      tpu.vector_store %arg12[%parallel_loop3A_775, %parallel_loop3A_776, %parallel_loop3A_777], %parallel_loop3A_780 {add = true, strides = array<i32>} : memref<4x64x128xf32, #tpu.memory_space<vmem>>, vector<1x1x16xf32>,
      %parallel_loop3A_781 = arith.constant 0 : i32
      %parallel_loop3A_782 = arith.addi %parallel_loop3A_660, %parallel_loop3A_781 : i32
      %parallel_loop3A_783 = arith.index_cast %parallel_loop3A_782 : i32 to index
      %parallel_loop3A_784 = arith.constant 80 : index
      %parallel_loop3A_785 = tpu.vector_load %arg10[%parallel_loop3A_783, %parallel_loop3A_784] {strides = array<i32>} : memref<64x128xf32, #tpu.memory_space<vmem>>, vector<1x16xf32>,
      %parallel_loop3A_786 = vector.shape_cast %parallel_loop3A_785 : vector<1x16xf32> to vector<16xf32>
      %parallel_loop3A_787 = arith.constant 0 : i32
      %parallel_loop3A_788 = arith.addi %parallel_loop3A_660, %parallel_loop3A_787 : i32
      %parallel_loop3A_789 = arith.constant 0 : i32
      %parallel_loop3A_790 = arith.index_cast %parallel_loop3A_789 : i32 to index
      %parallel_loop3A_791 = arith.index_cast %parallel_loop3A_788 : i32 to index
      %parallel_loop3A_792 = arith.constant 80 : index
      %parallel_loop3A_793 = tpu.vector_load %arg11[%parallel_loop3A_790, %parallel_loop3A_791, %parallel_loop3A_792] {strides = array<i32>} : memref<4x64x128xf32, #tpu.memory_space<vmem>>, vector<1x1x16xf32>,
      %parallel_loop3A_794 = vector.shape_cast %parallel_loop3A_793 : vector<1x1x16xf32> to vector<16xf32>
      %parallel_loop3A_795 = vector.shape_cast %parallel_loop3A_786 : vector<16xf32> to vector<1x1x16xf32>
      tpu.vector_store %arg11[%parallel_loop3A_790, %parallel_loop3A_791, %parallel_loop3A_792], %parallel_loop3A_795 {add = true, strides = array<i32>} : memref<4x64x128xf32, #tpu.memory_space<vmem>>, vector<1x1x16xf32>,
      %parallel_loop3A_796 = arith.constant 0 : i32
      %parallel_loop3A_797 = arith.addi %parallel_loop3A_660, %parallel_loop3A_796 : i32
      %parallel_loop3A_798 = arith.constant 0 : i32
      %parallel_loop3A_799 = arith.index_cast %parallel_loop3A_798 : i32 to index
      %parallel_loop3A_800 = arith.index_cast %parallel_loop3A_797 : i32 to index
      %parallel_loop3A_801 = arith.constant 80 : index
      %parallel_loop3A_802 = tpu.vector_load %arg12[%parallel_loop3A_799, %parallel_loop3A_800, %parallel_loop3A_801] {strides = array<i32>} : memref<4x64x128xf32, #tpu.memory_space<vmem>>, vector<1x1x16xf32>,
      %parallel_loop3A_803 = vector.shape_cast %parallel_loop3A_802 : vector<1x1x16xf32> to vector<16xf32>
      %parallel_loop3A_804 = vector.shape_cast %parallel_loop3A_786 : vector<16xf32> to vector<1x1x16xf32>
      tpu.vector_store %arg12[%parallel_loop3A_799, %parallel_loop3A_800, %parallel_loop3A_801], %parallel_loop3A_804 {add = true, strides = array<i32>} : memref<4x64x128xf32, #tpu.memory_space<vmem>>, vector<1x1x16xf32>,
      %parallel_loop3A_805 = arith.constant 0 : i32
      %parallel_loop3A_806 = arith.addi %parallel_loop3A_660, %parallel_loop3A_805 : i32
      %parallel_loop3A_807 = arith.index_cast %parallel_loop3A_806 : i32 to index
      %parallel_loop3A_808 = arith.constant 96 : index
      %parallel_loop3A_809 = tpu.vector_load %arg10[%parallel_loop3A_807, %parallel_loop3A_808] {strides = array<i32>} : memref<64x128xf32, #tpu.memory_space<vmem>>, vector<1x16xf32>,
      %parallel_loop3A_810 = vector.shape_cast %parallel_loop3A_809 : vector<1x16xf32> to vector<16xf32>
      %parallel_loop3A_811 = arith.constant 0 : i32
      %parallel_loop3A_812 = arith.addi %parallel_loop3A_660, %parallel_loop3A_811 : i32
      %parallel_loop3A_813 = arith.constant 0 : i32
      %parallel_loop3A_814 = arith.index_cast %parallel_loop3A_813 : i32 to index
      %parallel_loop3A_815 = arith.index_cast %parallel_loop3A_812 : i32 to index
      %parallel_loop3A_816 = arith.constant 96 : index
      %parallel_loop3A_817 = tpu.vector_load %arg11[%parallel_loop3A_814, %parallel_loop3A_815, %parallel_loop3A_816] {strides = array<i32>} : memref<4x64x128xf32, #tpu.memory_space<vmem>>, vector<1x1x16xf32>,
      %parallel_loop3A_818 = vector.shape_cast %parallel_loop3A_817 : vector<1x1x16xf32> to vector<16xf32>
      %parallel_loop3A_819 = vector.shape_cast %parallel_loop3A_810 : vector<16xf32> to vector<1x1x16xf32>
      tpu.vector_store %arg11[%parallel_loop3A_814, %parallel_loop3A_815, %parallel_loop3A_816], %parallel_loop3A_819 {add = true, strides = array<i32>} : memref<4x64x128xf32, #tpu.memory_space<vmem>>, vector<1x1x16xf32>,
      %parallel_loop3A_820 = arith.constant 0 : i32
      %parallel_loop3A_821 = arith.addi %parallel_loop3A_660, %parallel_loop3A_820 : i32
      %parallel_loop3A_822 = arith.constant 0 : i32
      %parallel_loop3A_823 = arith.index_cast %parallel_loop3A_822 : i32 to index
      %parallel_loop3A_824 = arith.index_cast %parallel_loop3A_821 : i32 to index
      %parallel_loop3A_825 = arith.constant 96 : index
      %parallel_loop3A_826 = tpu.vector_load %arg12[%parallel_loop3A_823, %parallel_loop3A_824, %parallel_loop3A_825] {strides = array<i32>} : memref<4x64x128xf32, #tpu.memory_space<vmem>>, vector<1x1x16xf32>,
      %parallel_loop3A_827 = vector.shape_cast %parallel_loop3A_826 : vector<1x1x16xf32> to vector<16xf32>
      %parallel_loop3A_828 = vector.shape_cast %parallel_loop3A_810 : vector<16xf32> to vector<1x1x16xf32>
      tpu.vector_store %arg12[%parallel_loop3A_823, %parallel_loop3A_824, %parallel_loop3A_825], %parallel_loop3A_828 {add = true, strides = array<i32>} : memref<4x64x128xf32, #tpu.memory_space<vmem>>, vector<1x1x16xf32>,
      %parallel_loop3A_829 = arith.constant 0 : i32
      %parallel_loop3A_830 = arith.addi %parallel_loop3A_660, %parallel_loop3A_829 : i32
      %parallel_loop3A_831 = arith.index_cast %parallel_loop3A_830 : i32 to index
      %parallel_loop3A_832 = arith.constant 112 : index
      %parallel_loop3A_833 = tpu.vector_load %arg10[%parallel_loop3A_831, %parallel_loop3A_832] {strides = array<i32>} : memref<64x128xf32, #tpu.memory_space<vmem>>, vector<1x16xf32>,
      %parallel_loop3A_834 = vector.shape_cast %parallel_loop3A_833 : vector<1x16xf32> to vector<16xf32>
      %parallel_loop3A_835 = arith.constant 0 : i32
      %parallel_loop3A_836 = arith.addi %parallel_loop3A_660, %parallel_loop3A_835 : i32
      %parallel_loop3A_837 = arith.constant 0 : i32
      %parallel_loop3A_838 = arith.index_cast %parallel_loop3A_837 : i32 to index
      %parallel_loop3A_839 = arith.index_cast %parallel_loop3A_836 : i32 to index
      %parallel_loop3A_840 = arith.constant 112 : index
      %parallel_loop3A_841 = tpu.vector_load %arg11[%parallel_loop3A_838, %parallel_loop3A_839, %parallel_loop3A_840] {strides = array<i32>} : memref<4x64x128xf32, #tpu.memory_space<vmem>>, vector<1x1x16xf32>,
      %parallel_loop3A_842 = vector.shape_cast %parallel_loop3A_841 : vector<1x1x16xf32> to vector<16xf32>
      %parallel_loop3A_843 = vector.shape_cast %parallel_loop3A_834 : vector<16xf32> to vector<1x1x16xf32>
      tpu.vector_store %arg11[%parallel_loop3A_838, %parallel_loop3A_839, %parallel_loop3A_840], %parallel_loop3A_843 {add = true, strides = array<i32>} : memref<4x64x128xf32, #tpu.memory_space<vmem>>, vector<1x1x16xf32>,
      %parallel_loop3A_844 = arith.constant 0 : i32
      %parallel_loop3A_845 = arith.addi %parallel_loop3A_660, %parallel_loop3A_844 : i32
      %parallel_loop3A_846 = arith.constant 0 : i32
      %parallel_loop3A_847 = arith.index_cast %parallel_loop3A_846 : i32 to index
      %parallel_loop3A_848 = arith.index_cast %parallel_loop3A_845 : i32 to index
      %parallel_loop3A_849 = arith.constant 112 : index
      %parallel_loop3A_850 = tpu.vector_load %arg12[%parallel_loop3A_847, %parallel_loop3A_848, %parallel_loop3A_849] {strides = array<i32>} : memref<4x64x128xf32, #tpu.memory_space<vmem>>, vector<1x1x16xf32>,
      %parallel_loop3A_851 = vector.shape_cast %parallel_loop3A_850 : vector<1x1x16xf32> to vector<16xf32>
      %parallel_loop3A_852 = vector.shape_cast %parallel_loop3A_834 : vector<16xf32> to vector<1x1x16xf32>
      tpu.vector_store %arg12[%parallel_loop3A_847, %parallel_loop3A_848, %parallel_loop3A_849], %parallel_loop3A_852 {add = true, strides = array<i32>} : memref<4x64x128xf32, #tpu.memory_space<vmem>>, vector<1x1x16xf32>,
    } {sc.loop_unroll_factor = 1 : i64, sc.parallel_access}
    %dma_start3A_323 = arith.constant 0 : i32
    %dma_start3A_324 = arith.constant 0 : i32
    %dma_start3A_325 = arith.constant 0 : i32
    %dma_start3A_326 = arith.constant 0 : i32
    %dma_start3A_327 = tpu.memref_slice %arg11[%dma_start3A_323, %dma_start3A_325, %dma_start3A_326] : memref<4x64x128xf32, #tpu.memory_space<vmem>> -> memref<1x64x128xf32, #tpu.memory_space<vmem>>
    %dma_start3A_328 = tpu.memref_squeeze %dma_start3A_327 : memref<1x64x128xf32, #tpu.memory_space<vmem>> -> memref<64x128xf32, #tpu.memory_space<vmem>>
    %dma_start3A_329 = arith.constant 0 : i32
    %dma_start3A_330 = tpu.memref_slice %arg6[%dma_start3A_324, %mul3A_2, %dma_start3A_329] : memref<4x2048x128xf32, #tpu.memory_space<hbm>> -> memref<1x64x128xf32, #tpu.memory_space<hbm>>
    %dma_start3A_331 = tpu.memref_squeeze %dma_start3A_330 : memref<1x64x128xf32, #tpu.memory_space<hbm>> -> memref<64x128xf32, #tpu.memory_space<hbm>>
    %dma_start3A_332 = arith.constant 0 : i32
    %dma_start3A_333 = tpu.memref_slice %arg6[%dma_start3A_324, %mul3A_2, %dma_start3A_332] : memref<4x2048x128xf32, #tpu.memory_space<hbm>> -> memref<1x64x128xf32, #tpu.memory_space<hbm>>
    %dma_start3A_334 = tpu.memref_squeeze %dma_start3A_333 : memref<1x64x128xf32, #tpu.memory_space<hbm>> -> memref<64x128xf32, #tpu.memory_space<hbm>>
    %dma_start3A_335 = arith.constant 0 : i32
    %dma_start3A_336 = arith.constant 0 : i32
    %dma_start3A_337 = tpu.memref_slice %arg11[%dma_start3A_323, %dma_start3A_335, %dma_start3A_336] : memref<4x64x128xf32, #tpu.memory_space<vmem>> -> memref<1x64x128xf32, #tpu.memory_space<vmem>>
    %dma_start3A_338 = tpu.memref_squeeze %dma_start3A_337 : memref<1x64x128xf32, #tpu.memory_space<vmem>> -> memref<64x128xf32, #tpu.memory_space<vmem>>
    tpu.enqueue_dma source(%dma_start3A_338 : memref<64x128xf32, #tpu.memory_space<vmem>>) target(%dma_start3A_334 : memref<64x128xf32, #tpu.memory_space<hbm>>) target_semaphore(%arg16 : memref<!tpu.dma_semaphore, #tpu.memory_space<semaphore_mem>>)
    %dma_start3A_339 = arith.constant 0 : i32
    %dma_start3A_340 = arith.constant 0 : i32
    %dma_start3A_341 = arith.constant 0 : i32
    %dma_start3A_342 = arith.constant 0 : i32
    %dma_start3A_343 = tpu.memref_slice %arg12[%dma_start3A_339, %dma_start3A_341, %dma_start3A_342] : memref<4x64x128xf32, #tpu.memory_space<vmem>> -> memref<1x64x128xf32, #tpu.memory_space<vmem>>
    %dma_start3A_344 = tpu.memref_squeeze %dma_start3A_343 : memref<1x64x128xf32, #tpu.memory_space<vmem>> -> memref<64x128xf32, #tpu.memory_space<vmem>>
    %dma_start3A_345 = arith.constant 0 : i32
    %dma_start3A_346 = tpu.memref_slice %arg7[%dma_start3A_340, %mul3A_2, %dma_start3A_345] : memref<4x2048x128xf32, #tpu.memory_space<hbm>> -> memref<1x64x128xf32, #tpu.memory_space<hbm>>
    %dma_start3A_347 = tpu.memref_squeeze %dma_start3A_346 : memref<1x64x128xf32, #tpu.memory_space<hbm>> -> memref<64x128xf32, #tpu.memory_space<hbm>>
    %dma_start3A_348 = arith.constant 0 : i32
    %dma_start3A_349 = tpu.memref_slice %arg7[%dma_start3A_340, %mul3A_2, %dma_start3A_348] : memref<4x2048x128xf32, #tpu.memory_space<hbm>> -> memref<1x64x128xf32, #tpu.memory_space<hbm>>
    %dma_start3A_350 = tpu.memref_squeeze %dma_start3A_349 : memref<1x64x128xf32, #tpu.memory_space<hbm>> -> memref<64x128xf32, #tpu.memory_space<hbm>>
    %dma_start3A_351 = arith.constant 0 : i32
    %dma_start3A_352 = arith.constant 0 : i32
    %dma_start3A_353 = tpu.memref_slice %arg12[%dma_start3A_339, %dma_start3A_351, %dma_start3A_352] : memref<4x64x128xf32, #tpu.memory_space<vmem>> -> memref<1x64x128xf32, #tpu.memory_space<vmem>>
    %dma_start3A_354 = tpu.memref_squeeze %dma_start3A_353 : memref<1x64x128xf32, #tpu.memory_space<vmem>> -> memref<64x128xf32, #tpu.memory_space<vmem>>
    tpu.enqueue_dma source(%dma_start3A_354 : memref<64x128xf32, #tpu.memory_space<vmem>>) target(%dma_start3A_350 : memref<64x128xf32, #tpu.memory_space<hbm>>) target_semaphore(%arg17 : memref<!tpu.dma_semaphore, #tpu.memory_space<semaphore_mem>>)
    %dma_wait3A_355 = arith.constant 1 : i32
    %dma_wait3A_356 = arith.constant 1 : i32
    %dma_wait3A_357 = arith.constant 0 : i32
    %dma_wait3A_358 = arith.constant 0 : i32
    %dma_wait3A_359 = tpu.memref_slice %arg11[%dma_wait3A_356, %dma_wait3A_357, %dma_wait3A_358] : memref<4x64x128xf32, #tpu.memory_space<vmem>> -> memref<1x64x128xf32, #tpu.memory_space<vmem>>
    %dma_wait3A_360 = tpu.memref_squeeze %dma_wait3A_359 : memref<1x64x128xf32, #tpu.memory_space<vmem>> -> memref<64x128xf32, #tpu.memory_space<vmem>>
    %dma_wait3A_361 = arith.constant 0 : i32
    %dma_wait3A_362 = tpu.memref_slice %arg8[%dma_wait3A_355, %dma_wait3A_361] : memref<4x64xi32, #tpu.memory_space<vmem>> -> memref<1x64xi32, #tpu.memory_space<vmem>>
    %dma_wait3A_363 = tpu.memref_squeeze %dma_wait3A_362 : memref<1x64xi32, #tpu.memory_space<vmem>> -> memref<64xi32, #tpu.memory_space<vmem>>
    %dma_wait3A_364 = arith.constant 0 : i32
    %dma_wait3A_365 = arith.constant 0 : i32
    %dma_wait3A_366 = tpu.memref_slice %arg2[%dma_wait3A_364, %dma_wait3A_365] : memref<100000x128xf32, #tpu.memory_space<hbm>> -> memref<100000x128xf32, #tpu.memory_space<hbm>>
    tpu.wait_indirect_dma semaphore(%arg18 : memref<!tpu.dma_semaphore, #tpu.memory_space<semaphore_mem>>) src(%dma_wait3A_366 : memref<100000x128xf32, #tpu.memory_space<hbm>>) dst(%dma_wait3A_360 : memref<64x128xf32, #tpu.memory_space<vmem>>)
    %dma_wait3A_367 = arith.constant 1 : i32
    %dma_wait3A_368 = arith.constant 1 : i32
    %dma_wait3A_369 = arith.constant 0 : i32
    %dma_wait3A_370 = arith.constant 0 : i32
    %dma_wait3A_371 = tpu.memref_slice %arg12[%dma_wait3A_368, %dma_wait3A_369, %dma_wait3A_370] : memref<4x64x128xf32, #tpu.memory_space<vmem>> -> memref<1x64x128xf32, #tpu.memory_space<vmem>>
    %dma_wait3A_372 = tpu.memref_squeeze %dma_wait3A_371 : memref<1x64x128xf32, #tpu.memory_space<vmem>> -> memref<64x128xf32, #tpu.memory_space<vmem>>
    %dma_wait3A_373 = arith.constant 0 : i32
    %dma_wait3A_374 = tpu.memref_slice %arg9[%dma_wait3A_367, %dma_wait3A_373] : memref<4x64xi32, #tpu.memory_space<vmem>> -> memref<1x64xi32, #tpu.memory_space<vmem>>
    %dma_wait3A_375 = tpu.memref_squeeze %dma_wait3A_374 : memref<1x64xi32, #tpu.memory_space<vmem>> -> memref<64xi32, #tpu.memory_space<vmem>>
    %dma_wait3A_376 = arith.constant 0 : i32
    %dma_wait3A_377 = arith.constant 0 : i32
    %dma_wait3A_378 = tpu.memref_slice %arg2[%dma_wait3A_376, %dma_wait3A_377] : memref<100000x128xf32, #tpu.memory_space<hbm>> -> memref<100000x128xf32, #tpu.memory_space<hbm>>
    tpu.wait_indirect_dma semaphore(%arg19 : memref<!tpu.dma_semaphore, #tpu.memory_space<semaphore_mem>>) src(%dma_wait3A_378 : memref<100000x128xf32, #tpu.memory_space<hbm>>) dst(%dma_wait3A_372 : memref<64x128xf32, #tpu.memory_space<vmem>>)
    %parallel_loop3A_379 = arith.constant 0 : i32
    %parallel_loop3A_380 = arith.constant 64 : i32
    %parallel_loop3A_381 = arith.constant 1 : i32
    scf.for %parallel_loop3A_660 = %parallel_loop3A_379 to %parallel_loop3A_380 step %parallel_loop3A_381  : i32 {
      %parallel_loop3A_661 = arith.constant 0 : i32
      %parallel_loop3A_662 = arith.addi %parallel_loop3A_660, %parallel_loop3A_661 : i32
      %parallel_loop3A_663 = arith.index_cast %parallel_loop3A_662 : i32 to index
      %parallel_loop3A_664 = arith.constant 0 : index
      %parallel_loop3A_665 = tpu.vector_load %arg10[%parallel_loop3A_663, %parallel_loop3A_664] {strides = array<i32>} : memref<64x128xf32, #tpu.memory_space<vmem>>, vector<1x16xf32>,
      %parallel_loop3A_666 = vector.shape_cast %parallel_loop3A_665 : vector<1x16xf32> to vector<16xf32>
      %parallel_loop3A_667 = arith.constant 0 : i32
      %parallel_loop3A_668 = arith.addi %parallel_loop3A_660, %parallel_loop3A_667 : i32
      %parallel_loop3A_669 = arith.constant 1 : i32
      %parallel_loop3A_670 = arith.index_cast %parallel_loop3A_669 : i32 to index
      %parallel_loop3A_671 = arith.index_cast %parallel_loop3A_668 : i32 to index
      %parallel_loop3A_672 = arith.constant 0 : index
      %parallel_loop3A_673 = tpu.vector_load %arg11[%parallel_loop3A_670, %parallel_loop3A_671, %parallel_loop3A_672] {strides = array<i32>} : memref<4x64x128xf32, #tpu.memory_space<vmem>>, vector<1x1x16xf32>,
      %parallel_loop3A_674 = vector.shape_cast %parallel_loop3A_673 : vector<1x1x16xf32> to vector<16xf32>
      %parallel_loop3A_675 = vector.shape_cast %parallel_loop3A_666 : vector<16xf32> to vector<1x1x16xf32>
      tpu.vector_store %arg11[%parallel_loop3A_670, %parallel_loop3A_671, %parallel_loop3A_672], %parallel_loop3A_675 {add = true, strides = array<i32>} : memref<4x64x128xf32, #tpu.memory_space<vmem>>, vector<1x1x16xf32>,
      %parallel_loop3A_676 = arith.constant 0 : i32
      %parallel_loop3A_677 = arith.addi %parallel_loop3A_660, %parallel_loop3A_676 : i32
      %parallel_loop3A_678 = arith.constant 1 : i32
      %parallel_loop3A_679 = arith.index_cast %parallel_loop3A_678 : i32 to index
      %parallel_loop3A_680 = arith.index_cast %parallel_loop3A_677 : i32 to index
      %parallel_loop3A_681 = arith.constant 0 : index
      %parallel_loop3A_682 = tpu.vector_load %arg12[%parallel_loop3A_679, %parallel_loop3A_680, %parallel_loop3A_681] {strides = array<i32>} : memref<4x64x128xf32, #tpu.memory_space<vmem>>, vector<1x1x16xf32>,
      %parallel_loop3A_683 = vector.shape_cast %parallel_loop3A_682 : vector<1x1x16xf32> to vector<16xf32>
      %parallel_loop3A_684 = vector.shape_cast %parallel_loop3A_666 : vector<16xf32> to vector<1x1x16xf32>
      tpu.vector_store %arg12[%parallel_loop3A_679, %parallel_loop3A_680, %parallel_loop3A_681], %parallel_loop3A_684 {add = true, strides = array<i32>} : memref<4x64x128xf32, #tpu.memory_space<vmem>>, vector<1x1x16xf32>,
      %parallel_loop3A_685 = arith.constant 0 : i32
      %parallel_loop3A_686 = arith.addi %parallel_loop3A_660, %parallel_loop3A_685 : i32
      %parallel_loop3A_687 = arith.index_cast %parallel_loop3A_686 : i32 to index
      %parallel_loop3A_688 = arith.constant 16 : index
      %parallel_loop3A_689 = tpu.vector_load %arg10[%parallel_loop3A_687, %parallel_loop3A_688] {strides = array<i32>} : memref<64x128xf32, #tpu.memory_space<vmem>>, vector<1x16xf32>,
      %parallel_loop3A_690 = vector.shape_cast %parallel_loop3A_689 : vector<1x16xf32> to vector<16xf32>
      %parallel_loop3A_691 = arith.constant 0 : i32
      %parallel_loop3A_692 = arith.addi %parallel_loop3A_660, %parallel_loop3A_691 : i32
      %parallel_loop3A_693 = arith.constant 1 : i32
      %parallel_loop3A_694 = arith.index_cast %parallel_loop3A_693 : i32 to index
      %parallel_loop3A_695 = arith.index_cast %parallel_loop3A_692 : i32 to index
      %parallel_loop3A_696 = arith.constant 16 : index
      %parallel_loop3A_697 = tpu.vector_load %arg11[%parallel_loop3A_694, %parallel_loop3A_695, %parallel_loop3A_696] {strides = array<i32>} : memref<4x64x128xf32, #tpu.memory_space<vmem>>, vector<1x1x16xf32>,
      %parallel_loop3A_698 = vector.shape_cast %parallel_loop3A_697 : vector<1x1x16xf32> to vector<16xf32>
      %parallel_loop3A_699 = vector.shape_cast %parallel_loop3A_690 : vector<16xf32> to vector<1x1x16xf32>
      tpu.vector_store %arg11[%parallel_loop3A_694, %parallel_loop3A_695, %parallel_loop3A_696], %parallel_loop3A_699 {add = true, strides = array<i32>} : memref<4x64x128xf32, #tpu.memory_space<vmem>>, vector<1x1x16xf32>,
      %parallel_loop3A_700 = arith.constant 0 : i32
      %parallel_loop3A_701 = arith.addi %parallel_loop3A_660, %parallel_loop3A_700 : i32
      %parallel_loop3A_702 = arith.constant 1 : i32
      %parallel_loop3A_703 = arith.index_cast %parallel_loop3A_702 : i32 to index
      %parallel_loop3A_704 = arith.index_cast %parallel_loop3A_701 : i32 to index
      %parallel_loop3A_705 = arith.constant 16 : index
      %parallel_loop3A_706 = tpu.vector_load %arg12[%parallel_loop3A_703, %parallel_loop3A_704, %parallel_loop3A_705] {strides = array<i32>} : memref<4x64x128xf32, #tpu.memory_space<vmem>>, vector<1x1x16xf32>,
      %parallel_loop3A_707 = vector.shape_cast %parallel_loop3A_706 : vector<1x1x16xf32> to vector<16xf32>
      %parallel_loop3A_708 = vector.shape_cast %parallel_loop3A_690 : vector<16xf32> to vector<1x1x16xf32>
      tpu.vector_store %arg12[%parallel_loop3A_703, %parallel_loop3A_704, %parallel_loop3A_705], %parallel_loop3A_708 {add = true, strides = array<i32>} : memref<4x64x128xf32, #tpu.memory_space<vmem>>, vector<1x1x16xf32>,
      %parallel_loop3A_709 = arith.constant 0 : i32
      %parallel_loop3A_710 = arith.addi %parallel_loop3A_660, %parallel_loop3A_709 : i32
      %parallel_loop3A_711 = arith.index_cast %parallel_loop3A_710 : i32 to index
      %parallel_loop3A_712 = arith.constant 32 : index
      %parallel_loop3A_713 = tpu.vector_load %arg10[%parallel_loop3A_711, %parallel_loop3A_712] {strides = array<i32>} : memref<64x128xf32, #tpu.memory_space<vmem>>, vector<1x16xf32>,
      %parallel_loop3A_714 = vector.shape_cast %parallel_loop3A_713 : vector<1x16xf32> to vector<16xf32>
      %parallel_loop3A_715 = arith.constant 0 : i32
      %parallel_loop3A_716 = arith.addi %parallel_loop3A_660, %parallel_loop3A_715 : i32
      %parallel_loop3A_717 = arith.constant 1 : i32
      %parallel_loop3A_718 = arith.index_cast %parallel_loop3A_717 : i32 to index
      %parallel_loop3A_719 = arith.index_cast %parallel_loop3A_716 : i32 to index
      %parallel_loop3A_720 = arith.constant 32 : index
      %parallel_loop3A_721 = tpu.vector_load %arg11[%parallel_loop3A_718, %parallel_loop3A_719, %parallel_loop3A_720] {strides = array<i32>} : memref<4x64x128xf32, #tpu.memory_space<vmem>>, vector<1x1x16xf32>,
      %parallel_loop3A_722 = vector.shape_cast %parallel_loop3A_721 : vector<1x1x16xf32> to vector<16xf32>
      %parallel_loop3A_723 = vector.shape_cast %parallel_loop3A_714 : vector<16xf32> to vector<1x1x16xf32>
      tpu.vector_store %arg11[%parallel_loop3A_718, %parallel_loop3A_719, %parallel_loop3A_720], %parallel_loop3A_723 {add = true, strides = array<i32>} : memref<4x64x128xf32, #tpu.memory_space<vmem>>, vector<1x1x16xf32>,
      %parallel_loop3A_724 = arith.constant 0 : i32
      %parallel_loop3A_725 = arith.addi %parallel_loop3A_660, %parallel_loop3A_724 : i32
      %parallel_loop3A_726 = arith.constant 1 : i32
      %parallel_loop3A_727 = arith.index_cast %parallel_loop3A_726 : i32 to index
      %parallel_loop3A_728 = arith.index_cast %parallel_loop3A_725 : i32 to index
      %parallel_loop3A_729 = arith.constant 32 : index
      %parallel_loop3A_730 = tpu.vector_load %arg12[%parallel_loop3A_727, %parallel_loop3A_728, %parallel_loop3A_729] {strides = array<i32>} : memref<4x64x128xf32, #tpu.memory_space<vmem>>, vector<1x1x16xf32>,
      %parallel_loop3A_731 = vector.shape_cast %parallel_loop3A_730 : vector<1x1x16xf32> to vector<16xf32>
      %parallel_loop3A_732 = vector.shape_cast %parallel_loop3A_714 : vector<16xf32> to vector<1x1x16xf32>
      tpu.vector_store %arg12[%parallel_loop3A_727, %parallel_loop3A_728, %parallel_loop3A_729], %parallel_loop3A_732 {add = true, strides = array<i32>} : memref<4x64x128xf32, #tpu.memory_space<vmem>>, vector<1x1x16xf32>,
      %parallel_loop3A_733 = arith.constant 0 : i32
      %parallel_loop3A_734 = arith.addi %parallel_loop3A_660, %parallel_loop3A_733 : i32
      %parallel_loop3A_735 = arith.index_cast %parallel_loop3A_734 : i32 to index
      %parallel_loop3A_736 = arith.constant 48 : index
      %parallel_loop3A_737 = tpu.vector_load %arg10[%parallel_loop3A_735, %parallel_loop3A_736] {strides = array<i32>} : memref<64x128xf32, #tpu.memory_space<vmem>>, vector<1x16xf32>,
      %parallel_loop3A_738 = vector.shape_cast %parallel_loop3A_737 : vector<1x16xf32> to vector<16xf32>
      %parallel_loop3A_739 = arith.constant 0 : i32
      %parallel_loop3A_740 = arith.addi %parallel_loop3A_660, %parallel_loop3A_739 : i32
      %parallel_loop3A_741 = arith.constant 1 : i32
      %parallel_loop3A_742 = arith.index_cast %parallel_loop3A_741 : i32 to index
      %parallel_loop3A_743 = arith.index_cast %parallel_loop3A_740 : i32 to index
      %parallel_loop3A_744 = arith.constant 48 : index
      %parallel_loop3A_745 = tpu.vector_load %arg11[%parallel_loop3A_742, %parallel_loop3A_743, %parallel_loop3A_744] {strides = array<i32>} : memref<4x64x128xf32, #tpu.memory_space<vmem>>, vector<1x1x16xf32>,
      %parallel_loop3A_746 = vector.shape_cast %parallel_loop3A_745 : vector<1x1x16xf32> to vector<16xf32>
      %parallel_loop3A_747 = vector.shape_cast %parallel_loop3A_738 : vector<16xf32> to vector<1x1x16xf32>
      tpu.vector_store %arg11[%parallel_loop3A_742, %parallel_loop3A_743, %parallel_loop3A_744], %parallel_loop3A_747 {add = true, strides = array<i32>} : memref<4x64x128xf32, #tpu.memory_space<vmem>>, vector<1x1x16xf32>,
      %parallel_loop3A_748 = arith.constant 0 : i32
      %parallel_loop3A_749 = arith.addi %parallel_loop3A_660, %parallel_loop3A_748 : i32
      %parallel_loop3A_750 = arith.constant 1 : i32
      %parallel_loop3A_751 = arith.index_cast %parallel_loop3A_750 : i32 to index
      %parallel_loop3A_752 = arith.index_cast %parallel_loop3A_749 : i32 to index
      %parallel_loop3A_753 = arith.constant 48 : index
      %parallel_loop3A_754 = tpu.vector_load %arg12[%parallel_loop3A_751, %parallel_loop3A_752, %parallel_loop3A_753] {strides = array<i32>} : memref<4x64x128xf32, #tpu.memory_space<vmem>>, vector<1x1x16xf32>,
      %parallel_loop3A_755 = vector.shape_cast %parallel_loop3A_754 : vector<1x1x16xf32> to vector<16xf32>
      %parallel_loop3A_756 = vector.shape_cast %parallel_loop3A_738 : vector<16xf32> to vector<1x1x16xf32>
      tpu.vector_store %arg12[%parallel_loop3A_751, %parallel_loop3A_752, %parallel_loop3A_753], %parallel_loop3A_756 {add = true, strides = array<i32>} : memref<4x64x128xf32, #tpu.memory_space<vmem>>, vector<1x1x16xf32>,
      %parallel_loop3A_757 = arith.constant 0 : i32
      %parallel_loop3A_758 = arith.addi %parallel_loop3A_660, %parallel_loop3A_757 : i32
      %parallel_loop3A_759 = arith.index_cast %parallel_loop3A_758 : i32 to index
      %parallel_loop3A_760 = arith.constant 64 : index
      %parallel_loop3A_761 = tpu.vector_load %arg10[%parallel_loop3A_759, %parallel_loop3A_760] {strides = array<i32>} : memref<64x128xf32, #tpu.memory_space<vmem>>, vector<1x16xf32>,
      %parallel_loop3A_762 = vector.shape_cast %parallel_loop3A_761 : vector<1x16xf32> to vector<16xf32>
      %parallel_loop3A_763 = arith.constant 0 : i32
      %parallel_loop3A_764 = arith.addi %parallel_loop3A_660, %parallel_loop3A_763 : i32
      %parallel_loop3A_765 = arith.constant 1 : i32
      %parallel_loop3A_766 = arith.index_cast %parallel_loop3A_765 : i32 to index
      %parallel_loop3A_767 = arith.index_cast %parallel_loop3A_764 : i32 to index
      %parallel_loop3A_768 = arith.constant 64 : index
      %parallel_loop3A_769 = tpu.vector_load %arg11[%parallel_loop3A_766, %parallel_loop3A_767, %parallel_loop3A_768] {strides = array<i32>} : memref<4x64x128xf32, #tpu.memory_space<vmem>>, vector<1x1x16xf32>,
      %parallel_loop3A_770 = vector.shape_cast %parallel_loop3A_769 : vector<1x1x16xf32> to vector<16xf32>
      %parallel_loop3A_771 = vector.shape_cast %parallel_loop3A_762 : vector<16xf32> to vector<1x1x16xf32>
      tpu.vector_store %arg11[%parallel_loop3A_766, %parallel_loop3A_767, %parallel_loop3A_768], %parallel_loop3A_771 {add = true, strides = array<i32>} : memref<4x64x128xf32, #tpu.memory_space<vmem>>, vector<1x1x16xf32>,
      %parallel_loop3A_772 = arith.constant 0 : i32
      %parallel_loop3A_773 = arith.addi %parallel_loop3A_660, %parallel_loop3A_772 : i32
      %parallel_loop3A_774 = arith.constant 1 : i32
      %parallel_loop3A_775 = arith.index_cast %parallel_loop3A_774 : i32 to index
      %parallel_loop3A_776 = arith.index_cast %parallel_loop3A_773 : i32 to index
      %parallel_loop3A_777 = arith.constant 64 : index
      %parallel_loop3A_778 = tpu.vector_load %arg12[%parallel_loop3A_775, %parallel_loop3A_776, %parallel_loop3A_777] {strides = array<i32>} : memref<4x64x128xf32, #tpu.memory_space<vmem>>, vector<1x1x16xf32>,
      %parallel_loop3A_779 = vector.shape_cast %parallel_loop3A_778 : vector<1x1x16xf32> to vector<16xf32>
      %parallel_loop3A_780 = vector.shape_cast %parallel_loop3A_762 : vector<16xf32> to vector<1x1x16xf32>
      tpu.vector_store %arg12[%parallel_loop3A_775, %parallel_loop3A_776, %parallel_loop3A_777], %parallel_loop3A_780 {add = true, strides = array<i32>} : memref<4x64x128xf32, #tpu.memory_space<vmem>>, vector<1x1x16xf32>,
      %parallel_loop3A_781 = arith.constant 0 : i32
      %parallel_loop3A_782 = arith.addi %parallel_loop3A_660, %parallel_loop3A_781 : i32
      %parallel_loop3A_783 = arith.index_cast %parallel_loop3A_782 : i32 to index
      %parallel_loop3A_784 = arith.constant 80 : index
      %parallel_loop3A_785 = tpu.vector_load %arg10[%parallel_loop3A_783, %parallel_loop3A_784] {strides = array<i32>} : memref<64x128xf32, #tpu.memory_space<vmem>>, vector<1x16xf32>,
      %parallel_loop3A_786 = vector.shape_cast %parallel_loop3A_785 : vector<1x16xf32> to vector<16xf32>
      %parallel_loop3A_787 = arith.constant 0 : i32
      %parallel_loop3A_788 = arith.addi %parallel_loop3A_660, %parallel_loop3A_787 : i32
      %parallel_loop3A_789 = arith.constant 1 : i32
      %parallel_loop3A_790 = arith.index_cast %parallel_loop3A_789 : i32 to index
      %parallel_loop3A_791 = arith.index_cast %parallel_loop3A_788 : i32 to index
      %parallel_loop3A_792 = arith.constant 80 : index
      %parallel_loop3A_793 = tpu.vector_load %arg11[%parallel_loop3A_790, %parallel_loop3A_791, %parallel_loop3A_792] {strides = array<i32>} : memref<4x64x128xf32, #tpu.memory_space<vmem>>, vector<1x1x16xf32>,
      %parallel_loop3A_794 = vector.shape_cast %parallel_loop3A_793 : vector<1x1x16xf32> to vector<16xf32>
      %parallel_loop3A_795 = vector.shape_cast %parallel_loop3A_786 : vector<16xf32> to vector<1x1x16xf32>
      tpu.vector_store %arg11[%parallel_loop3A_790, %parallel_loop3A_791, %parallel_loop3A_792], %parallel_loop3A_795 {add = true, strides = array<i32>} : memref<4x64x128xf32, #tpu.memory_space<vmem>>, vector<1x1x16xf32>,
      %parallel_loop3A_796 = arith.constant 0 : i32
      %parallel_loop3A_797 = arith.addi %parallel_loop3A_660, %parallel_loop3A_796 : i32
      %parallel_loop3A_798 = arith.constant 1 : i32
      %parallel_loop3A_799 = arith.index_cast %parallel_loop3A_798 : i32 to index
      %parallel_loop3A_800 = arith.index_cast %parallel_loop3A_797 : i32 to index
      %parallel_loop3A_801 = arith.constant 80 : index
      %parallel_loop3A_802 = tpu.vector_load %arg12[%parallel_loop3A_799, %parallel_loop3A_800, %parallel_loop3A_801] {strides = array<i32>} : memref<4x64x128xf32, #tpu.memory_space<vmem>>, vector<1x1x16xf32>,
      %parallel_loop3A_803 = vector.shape_cast %parallel_loop3A_802 : vector<1x1x16xf32> to vector<16xf32>
      %parallel_loop3A_804 = vector.shape_cast %parallel_loop3A_786 : vector<16xf32> to vector<1x1x16xf32>
      tpu.vector_store %arg12[%parallel_loop3A_799, %parallel_loop3A_800, %parallel_loop3A_801], %parallel_loop3A_804 {add = true, strides = array<i32>} : memref<4x64x128xf32, #tpu.memory_space<vmem>>, vector<1x1x16xf32>,
      %parallel_loop3A_805 = arith.constant 0 : i32
      %parallel_loop3A_806 = arith.addi %parallel_loop3A_660, %parallel_loop3A_805 : i32
      %parallel_loop3A_807 = arith.index_cast %parallel_loop3A_806 : i32 to index
      %parallel_loop3A_808 = arith.constant 96 : index
      %parallel_loop3A_809 = tpu.vector_load %arg10[%parallel_loop3A_807, %parallel_loop3A_808] {strides = array<i32>} : memref<64x128xf32, #tpu.memory_space<vmem>>, vector<1x16xf32>,
      %parallel_loop3A_810 = vector.shape_cast %parallel_loop3A_809 : vector<1x16xf32> to vector<16xf32>
      %parallel_loop3A_811 = arith.constant 0 : i32
      %parallel_loop3A_812 = arith.addi %parallel_loop3A_660, %parallel_loop3A_811 : i32
      %parallel_loop3A_813 = arith.constant 1 : i32
      %parallel_loop3A_814 = arith.index_cast %parallel_loop3A_813 : i32 to index
      %parallel_loop3A_815 = arith.index_cast %parallel_loop3A_812 : i32 to index
      %parallel_loop3A_816 = arith.constant 96 : index
      %parallel_loop3A_817 = tpu.vector_load %arg11[%parallel_loop3A_814, %parallel_loop3A_815, %parallel_loop3A_816] {strides = array<i32>} : memref<4x64x128xf32, #tpu.memory_space<vmem>>, vector<1x1x16xf32>,
      %parallel_loop3A_818 = vector.shape_cast %parallel_loop3A_817 : vector<1x1x16xf32> to vector<16xf32>
      %parallel_loop3A_819 = vector.shape_cast %parallel_loop3A_810 : vector<16xf32> to vector<1x1x16xf32>
      tpu.vector_store %arg11[%parallel_loop3A_814, %parallel_loop3A_815, %parallel_loop3A_816], %parallel_loop3A_819 {add = true, strides = array<i32>} : memref<4x64x128xf32, #tpu.memory_space<vmem>>, vector<1x1x16xf32>,
      %parallel_loop3A_820 = arith.constant 0 : i32
      %parallel_loop3A_821 = arith.addi %parallel_loop3A_660, %parallel_loop3A_820 : i32
      %parallel_loop3A_822 = arith.constant 1 : i32
      %parallel_loop3A_823 = arith.index_cast %parallel_loop3A_822 : i32 to index
      %parallel_loop3A_824 = arith.index_cast %parallel_loop3A_821 : i32 to index
      %parallel_loop3A_825 = arith.constant 96 : index
      %parallel_loop3A_826 = tpu.vector_load %arg12[%parallel_loop3A_823, %parallel_loop3A_824, %parallel_loop3A_825] {strides = array<i32>} : memref<4x64x128xf32, #tpu.memory_space<vmem>>, vector<1x1x16xf32>,
      %parallel_loop3A_827 = vector.shape_cast %parallel_loop3A_826 : vector<1x1x16xf32> to vector<16xf32>
      %parallel_loop3A_828 = vector.shape_cast %parallel_loop3A_810 : vector<16xf32> to vector<1x1x16xf32>
      tpu.vector_store %arg12[%parallel_loop3A_823, %parallel_loop3A_824, %parallel_loop3A_825], %parallel_loop3A_828 {add = true, strides = array<i32>} : memref<4x64x128xf32, #tpu.memory_space<vmem>>, vector<1x1x16xf32>,
      %parallel_loop3A_829 = arith.constant 0 : i32
      %parallel_loop3A_830 = arith.addi %parallel_loop3A_660, %parallel_loop3A_829 : i32
      %parallel_loop3A_831 = arith.index_cast %parallel_loop3A_830 : i32 to index
      %parallel_loop3A_832 = arith.constant 112 : index
      %parallel_loop3A_833 = tpu.vector_load %arg10[%parallel_loop3A_831, %parallel_loop3A_832] {strides = array<i32>} : memref<64x128xf32, #tpu.memory_space<vmem>>, vector<1x16xf32>,
      %parallel_loop3A_834 = vector.shape_cast %parallel_loop3A_833 : vector<1x16xf32> to vector<16xf32>
      %parallel_loop3A_835 = arith.constant 0 : i32
      %parallel_loop3A_836 = arith.addi %parallel_loop3A_660, %parallel_loop3A_835 : i32
      %parallel_loop3A_837 = arith.constant 1 : i32
      %parallel_loop3A_838 = arith.index_cast %parallel_loop3A_837 : i32 to index
      %parallel_loop3A_839 = arith.index_cast %parallel_loop3A_836 : i32 to index
      %parallel_loop3A_840 = arith.constant 112 : index
      %parallel_loop3A_841 = tpu.vector_load %arg11[%parallel_loop3A_838, %parallel_loop3A_839, %parallel_loop3A_840] {strides = array<i32>} : memref<4x64x128xf32, #tpu.memory_space<vmem>>, vector<1x1x16xf32>,
      %parallel_loop3A_842 = vector.shape_cast %parallel_loop3A_841 : vector<1x1x16xf32> to vector<16xf32>
      %parallel_loop3A_843 = vector.shape_cast %parallel_loop3A_834 : vector<16xf32> to vector<1x1x16xf32>
      tpu.vector_store %arg11[%parallel_loop3A_838, %parallel_loop3A_839, %parallel_loop3A_840], %parallel_loop3A_843 {add = true, strides = array<i32>} : memref<4x64x128xf32, #tpu.memory_space<vmem>>, vector<1x1x16xf32>,
      %parallel_loop3A_844 = arith.constant 0 : i32
      %parallel_loop3A_845 = arith.addi %parallel_loop3A_660, %parallel_loop3A_844 : i32
      %parallel_loop3A_846 = arith.constant 1 : i32
      %parallel_loop3A_847 = arith.index_cast %parallel_loop3A_846 : i32 to index
      %parallel_loop3A_848 = arith.index_cast %parallel_loop3A_845 : i32 to index
      %parallel_loop3A_849 = arith.constant 112 : index
      %parallel_loop3A_850 = tpu.vector_load %arg12[%parallel_loop3A_847, %parallel_loop3A_848, %parallel_loop3A_849] {strides = array<i32>} : memref<4x64x128xf32, #tpu.memory_space<vmem>>, vector<1x1x16xf32>,
      %parallel_loop3A_851 = vector.shape_cast %parallel_loop3A_850 : vector<1x1x16xf32> to vector<16xf32>
      %parallel_loop3A_852 = vector.shape_cast %parallel_loop3A_834 : vector<16xf32> to vector<1x1x16xf32>
      tpu.vector_store %arg12[%parallel_loop3A_847, %parallel_loop3A_848, %parallel_loop3A_849], %parallel_loop3A_852 {add = true, strides = array<i32>} : memref<4x64x128xf32, #tpu.memory_space<vmem>>, vector<1x1x16xf32>,
    } {sc.loop_unroll_factor = 1 : i64, sc.parallel_access}
    %dma_start3A_382 = arith.constant 1 : i32
    %dma_start3A_383 = arith.constant 1 : i32
    %dma_start3A_384 = arith.constant 0 : i32
    %dma_start3A_385 = arith.constant 0 : i32
    %dma_start3A_386 = tpu.memref_slice %arg11[%dma_start3A_382, %dma_start3A_384, %dma_start3A_385] : memref<4x64x128xf32, #tpu.memory_space<vmem>> -> memref<1x64x128xf32, #tpu.memory_space<vmem>>
    %dma_start3A_387 = tpu.memref_squeeze %dma_start3A_386 : memref<1x64x128xf32, #tpu.memory_space<vmem>> -> memref<64x128xf32, #tpu.memory_space<vmem>>
    %dma_start3A_388 = arith.constant 0 : i32
    %dma_start3A_389 = tpu.memref_slice %arg6[%dma_start3A_383, %mul3A_2, %dma_start3A_388] : memref<4x2048x128xf32, #tpu.memory_space<hbm>> -> memref<1x64x128xf32, #tpu.memory_space<hbm>>
    %dma_start3A_390 = tpu.memref_squeeze %dma_start3A_389 : memref<1x64x128xf32, #tpu.memory_space<hbm>> -> memref<64x128xf32, #tpu.memory_space<hbm>>
    %dma_start3A_391 = arith.constant 0 : i32
    %dma_start3A_392 = tpu.memref_slice %arg6[%dma_start3A_383, %mul3A_2, %dma_start3A_391] : memref<4x2048x128xf32, #tpu.memory_space<hbm>> -> memref<1x64x128xf32, #tpu.memory_space<hbm>>
    %dma_start3A_393 = tpu.memref_squeeze %dma_start3A_392 : memref<1x64x128xf32, #tpu.memory_space<hbm>> -> memref<64x128xf32, #tpu.memory_space<hbm>>
    %dma_start3A_394 = arith.constant 0 : i32
    %dma_start3A_395 = arith.constant 0 : i32
    %dma_start3A_396 = tpu.memref_slice %arg11[%dma_start3A_382, %dma_start3A_394, %dma_start3A_395] : memref<4x64x128xf32, #tpu.memory_space<vmem>> -> memref<1x64x128xf32, #tpu.memory_space<vmem>>
    %dma_start3A_397 = tpu.memref_squeeze %dma_start3A_396 : memref<1x64x128xf32, #tpu.memory_space<vmem>> -> memref<64x128xf32, #tpu.memory_space<vmem>>
    tpu.enqueue_dma source(%dma_start3A_397 : memref<64x128xf32, #tpu.memory_space<vmem>>) target(%dma_start3A_393 : memref<64x128xf32, #tpu.memory_space<hbm>>) target_semaphore(%arg18 : memref<!tpu.dma_semaphore, #tpu.memory_space<semaphore_mem>>)
    %dma_start3A_398 = arith.constant 1 : i32
    %dma_start3A_399 = arith.constant 1 : i32
    %dma_start3A_400 = arith.constant 0 : i32
    %dma_start3A_401 = arith.constant 0 : i32
    %dma_start3A_402 = tpu.memref_slice %arg12[%dma_start3A_398, %dma_start3A_400, %dma_start3A_401] : memref<4x64x128xf32, #tpu.memory_space<vmem>> -> memref<1x64x128xf32, #tpu.memory_space<vmem>>
    %dma_start3A_403 = tpu.memref_squeeze %dma_start3A_402 : memref<1x64x128xf32, #tpu.memory_space<vmem>> -> memref<64x128xf32, #tpu.memory_space<vmem>>
    %dma_start3A_404 = arith.constant 0 : i32
    %dma_start3A_405 = tpu.memref_slice %arg7[%dma_start3A_399, %mul3A_2, %dma_start3A_404] : memref<4x2048x128xf32, #tpu.memory_space<hbm>> -> memref<1x64x128xf32, #tpu.memory_space<hbm>>
    %dma_start3A_406 = tpu.memref_squeeze %dma_start3A_405 : memref<1x64x128xf32, #tpu.memory_space<hbm>> -> memref<64x128xf32, #tpu.memory_space<hbm>>
    %dma_start3A_407 = arith.constant 0 : i32
    %dma_start3A_408 = tpu.memref_slice %arg7[%dma_start3A_399, %mul3A_2, %dma_start3A_407] : memref<4x2048x128xf32, #tpu.memory_space<hbm>> -> memref<1x64x128xf32, #tpu.memory_space<hbm>>
    %dma_start3A_409 = tpu.memref_squeeze %dma_start3A_408 : memref<1x64x128xf32, #tpu.memory_space<hbm>> -> memref<64x128xf32, #tpu.memory_space<hbm>>
    %dma_start3A_410 = arith.constant 0 : i32
    %dma_start3A_411 = arith.constant 0 : i32
    %dma_start3A_412 = tpu.memref_slice %arg12[%dma_start3A_398, %dma_start3A_410, %dma_start3A_411] : memref<4x64x128xf32, #tpu.memory_space<vmem>> -> memref<1x64x128xf32, #tpu.memory_space<vmem>>
    %dma_start3A_413 = tpu.memref_squeeze %dma_start3A_412 : memref<1x64x128xf32, #tpu.memory_space<vmem>> -> memref<64x128xf32, #tpu.memory_space<vmem>>
    tpu.enqueue_dma source(%dma_start3A_413 : memref<64x128xf32, #tpu.memory_space<vmem>>) target(%dma_start3A_409 : memref<64x128xf32, #tpu.memory_space<hbm>>) target_semaphore(%arg19 : memref<!tpu.dma_semaphore, #tpu.memory_space<semaphore_mem>>)
    %dma_wait3A_414 = arith.constant 2 : i32
    %dma_wait3A_415 = arith.constant 2 : i32
    %dma_wait3A_416 = arith.constant 0 : i32
    %dma_wait3A_417 = arith.constant 0 : i32
    %dma_wait3A_418 = tpu.memref_slice %arg11[%dma_wait3A_415, %dma_wait3A_416, %dma_wait3A_417] : memref<4x64x128xf32, #tpu.memory_space<vmem>> -> memref<1x64x128xf32, #tpu.memory_space<vmem>>
    %dma_wait3A_419 = tpu.memref_squeeze %dma_wait3A_418 : memref<1x64x128xf32, #tpu.memory_space<vmem>> -> memref<64x128xf32, #tpu.memory_space<vmem>>
    %dma_wait3A_420 = arith.constant 0 : i32
    %dma_wait3A_421 = tpu.memref_slice %arg8[%dma_wait3A_414, %dma_wait3A_420] : memref<4x64xi32, #tpu.memory_space<vmem>> -> memref<1x64xi32, #tpu.memory_space<vmem>>
    %dma_wait3A_422 = tpu.memref_squeeze %dma_wait3A_421 : memref<1x64xi32, #tpu.memory_space<vmem>> -> memref<64xi32, #tpu.memory_space<vmem>>
    %dma_wait3A_423 = arith.constant 0 : i32
    %dma_wait3A_424 = arith.constant 0 : i32
    %dma_wait3A_425 = tpu.memref_slice %arg2[%dma_wait3A_423, %dma_wait3A_424] : memref<100000x128xf32, #tpu.memory_space<hbm>> -> memref<100000x128xf32, #tpu.memory_space<hbm>>
    tpu.wait_indirect_dma semaphore(%arg20 : memref<!tpu.dma_semaphore, #tpu.memory_space<semaphore_mem>>) src(%dma_wait3A_425 : memref<100000x128xf32, #tpu.memory_space<hbm>>) dst(%dma_wait3A_419 : memref<64x128xf32, #tpu.memory_space<vmem>>)
    %dma_wait3A_426 = arith.constant 2 : i32
    %dma_wait3A_427 = arith.constant 2 : i32
    %dma_wait3A_428 = arith.constant 0 : i32
    %dma_wait3A_429 = arith.constant 0 : i32
    %dma_wait3A_430 = tpu.memref_slice %arg12[%dma_wait3A_427, %dma_wait3A_428, %dma_wait3A_429] : memref<4x64x128xf32, #tpu.memory_space<vmem>> -> memref<1x64x128xf32, #tpu.memory_space<vmem>>
    %dma_wait3A_431 = tpu.memref_squeeze %dma_wait3A_430 : memref<1x64x128xf32, #tpu.memory_space<vmem>> -> memref<64x128xf32, #tpu.memory_space<vmem>>
    %dma_wait3A_432 = arith.constant 0 : i32
    %dma_wait3A_433 = tpu.memref_slice %arg9[%dma_wait3A_426, %dma_wait3A_432] : memref<4x64xi32, #tpu.memory_space<vmem>> -> memref<1x64xi32, #tpu.memory_space<vmem>>
    %dma_wait3A_434 = tpu.memref_squeeze %dma_wait3A_433 : memref<1x64xi32, #tpu.memory_space<vmem>> -> memref<64xi32, #tpu.memory_space<vmem>>
    %dma_wait3A_435 = arith.constant 0 : i32
    %dma_wait3A_436 = arith.constant 0 : i32
    %dma_wait3A_437 = tpu.memref_slice %arg2[%dma_wait3A_435, %dma_wait3A_436] : memref<100000x128xf32, #tpu.memory_space<hbm>> -> memref<100000x128xf32, #tpu.memory_space<hbm>>
    tpu.wait_indirect_dma semaphore(%arg21 : memref<!tpu.dma_semaphore, #tpu.memory_space<semaphore_mem>>) src(%dma_wait3A_437 : memref<100000x128xf32, #tpu.memory_space<hbm>>) dst(%dma_wait3A_431 : memref<64x128xf32, #tpu.memory_space<vmem>>)
    %parallel_loop3A_438 = arith.constant 0 : i32
    %parallel_loop3A_439 = arith.constant 64 : i32
    %parallel_loop3A_440 = arith.constant 1 : i32
    scf.for %parallel_loop3A_660 = %parallel_loop3A_438 to %parallel_loop3A_439 step %parallel_loop3A_440  : i32 {
      %parallel_loop3A_661 = arith.constant 0 : i32
      %parallel_loop3A_662 = arith.addi %parallel_loop3A_660, %parallel_loop3A_661 : i32
      %parallel_loop3A_663 = arith.index_cast %parallel_loop3A_662 : i32 to index
      %parallel_loop3A_664 = arith.constant 0 : index
      %parallel_loop3A_665 = tpu.vector_load %arg10[%parallel_loop3A_663, %parallel_loop3A_664] {strides = array<i32>} : memref<64x128xf32, #tpu.memory_space<vmem>>, vector<1x16xf32>,
      %parallel_loop3A_666 = vector.shape_cast %parallel_loop3A_665 : vector<1x16xf32> to vector<16xf32>
      %parallel_loop3A_667 = arith.constant 0 : i32
      %parallel_loop3A_668 = arith.addi %parallel_loop3A_660, %parallel_loop3A_667 : i32
      %parallel_loop3A_669 = arith.constant 2 : i32
      %parallel_loop3A_670 = arith.index_cast %parallel_loop3A_669 : i32 to index
      %parallel_loop3A_671 = arith.index_cast %parallel_loop3A_668 : i32 to index
      %parallel_loop3A_672 = arith.constant 0 : index
      %parallel_loop3A_673 = tpu.vector_load %arg11[%parallel_loop3A_670, %parallel_loop3A_671, %parallel_loop3A_672] {strides = array<i32>} : memref<4x64x128xf32, #tpu.memory_space<vmem>>, vector<1x1x16xf32>,
      %parallel_loop3A_674 = vector.shape_cast %parallel_loop3A_673 : vector<1x1x16xf32> to vector<16xf32>
      %parallel_loop3A_675 = vector.shape_cast %parallel_loop3A_666 : vector<16xf32> to vector<1x1x16xf32>
      tpu.vector_store %arg11[%parallel_loop3A_670, %parallel_loop3A_671, %parallel_loop3A_672], %parallel_loop3A_675 {add = true, strides = array<i32>} : memref<4x64x128xf32, #tpu.memory_space<vmem>>, vector<1x1x16xf32>,
      %parallel_loop3A_676 = arith.constant 0 : i32
      %parallel_loop3A_677 = arith.addi %parallel_loop3A_660, %parallel_loop3A_676 : i32
      %parallel_loop3A_678 = arith.constant 2 : i32
      %parallel_loop3A_679 = arith.index_cast %parallel_loop3A_678 : i32 to index
      %parallel_loop3A_680 = arith.index_cast %parallel_loop3A_677 : i32 to index
      %parallel_loop3A_681 = arith.constant 0 : index
      %parallel_loop3A_682 = tpu.vector_load %arg12[%parallel_loop3A_679, %parallel_loop3A_680, %parallel_loop3A_681] {strides = array<i32>} : memref<4x64x128xf32, #tpu.memory_space<vmem>>, vector<1x1x16xf32>,
      %parallel_loop3A_683 = vector.shape_cast %parallel_loop3A_682 : vector<1x1x16xf32> to vector<16xf32>
      %parallel_loop3A_684 = vector.shape_cast %parallel_loop3A_666 : vector<16xf32> to vector<1x1x16xf32>
      tpu.vector_store %arg12[%parallel_loop3A_679, %parallel_loop3A_680, %parallel_loop3A_681], %parallel_loop3A_684 {add = true, strides = array<i32>} : memref<4x64x128xf32, #tpu.memory_space<vmem>>, vector<1x1x16xf32>,
      %parallel_loop3A_685 = arith.constant 0 : i32
      %parallel_loop3A_686 = arith.addi %parallel_loop3A_660, %parallel_loop3A_685 : i32
      %parallel_loop3A_687 = arith.index_cast %parallel_loop3A_686 : i32 to index
      %parallel_loop3A_688 = arith.constant 16 : index
      %parallel_loop3A_689 = tpu.vector_load %arg10[%parallel_loop3A_687, %parallel_loop3A_688] {strides = array<i32>} : memref<64x128xf32, #tpu.memory_space<vmem>>, vector<1x16xf32>,
      %parallel_loop3A_690 = vector.shape_cast %parallel_loop3A_689 : vector<1x16xf32> to vector<16xf32>
      %parallel_loop3A_691 = arith.constant 0 : i32
      %parallel_loop3A_692 = arith.addi %parallel_loop3A_660, %parallel_loop3A_691 : i32
      %parallel_loop3A_693 = arith.constant 2 : i32
      %parallel_loop3A_694 = arith.index_cast %parallel_loop3A_693 : i32 to index
      %parallel_loop3A_695 = arith.index_cast %parallel_loop3A_692 : i32 to index
      %parallel_loop3A_696 = arith.constant 16 : index
      %parallel_loop3A_697 = tpu.vector_load %arg11[%parallel_loop3A_694, %parallel_loop3A_695, %parallel_loop3A_696] {strides = array<i32>} : memref<4x64x128xf32, #tpu.memory_space<vmem>>, vector<1x1x16xf32>,
      %parallel_loop3A_698 = vector.shape_cast %parallel_loop3A_697 : vector<1x1x16xf32> to vector<16xf32>
      %parallel_loop3A_699 = vector.shape_cast %parallel_loop3A_690 : vector<16xf32> to vector<1x1x16xf32>
      tpu.vector_store %arg11[%parallel_loop3A_694, %parallel_loop3A_695, %parallel_loop3A_696], %parallel_loop3A_699 {add = true, strides = array<i32>} : memref<4x64x128xf32, #tpu.memory_space<vmem>>, vector<1x1x16xf32>,
      %parallel_loop3A_700 = arith.constant 0 : i32
      %parallel_loop3A_701 = arith.addi %parallel_loop3A_660, %parallel_loop3A_700 : i32
      %parallel_loop3A_702 = arith.constant 2 : i32
      %parallel_loop3A_703 = arith.index_cast %parallel_loop3A_702 : i32 to index
      %parallel_loop3A_704 = arith.index_cast %parallel_loop3A_701 : i32 to index
      %parallel_loop3A_705 = arith.constant 16 : index
      %parallel_loop3A_706 = tpu.vector_load %arg12[%parallel_loop3A_703, %parallel_loop3A_704, %parallel_loop3A_705] {strides = array<i32>} : memref<4x64x128xf32, #tpu.memory_space<vmem>>, vector<1x1x16xf32>,
      %parallel_loop3A_707 = vector.shape_cast %parallel_loop3A_706 : vector<1x1x16xf32> to vector<16xf32>
      %parallel_loop3A_708 = vector.shape_cast %parallel_loop3A_690 : vector<16xf32> to vector<1x1x16xf32>
      tpu.vector_store %arg12[%parallel_loop3A_703, %parallel_loop3A_704, %parallel_loop3A_705], %parallel_loop3A_708 {add = true, strides = array<i32>} : memref<4x64x128xf32, #tpu.memory_space<vmem>>, vector<1x1x16xf32>,
      %parallel_loop3A_709 = arith.constant 0 : i32
      %parallel_loop3A_710 = arith.addi %parallel_loop3A_660, %parallel_loop3A_709 : i32
      %parallel_loop3A_711 = arith.index_cast %parallel_loop3A_710 : i32 to index
      %parallel_loop3A_712 = arith.constant 32 : index
      %parallel_loop3A_713 = tpu.vector_load %arg10[%parallel_loop3A_711, %parallel_loop3A_712] {strides = array<i32>} : memref<64x128xf32, #tpu.memory_space<vmem>>, vector<1x16xf32>,
      %parallel_loop3A_714 = vector.shape_cast %parallel_loop3A_713 : vector<1x16xf32> to vector<16xf32>
      %parallel_loop3A_715 = arith.constant 0 : i32
      %parallel_loop3A_716 = arith.addi %parallel_loop3A_660, %parallel_loop3A_715 : i32
      %parallel_loop3A_717 = arith.constant 2 : i32
      %parallel_loop3A_718 = arith.index_cast %parallel_loop3A_717 : i32 to index
      %parallel_loop3A_719 = arith.index_cast %parallel_loop3A_716 : i32 to index
      %parallel_loop3A_720 = arith.constant 32 : index
      %parallel_loop3A_721 = tpu.vector_load %arg11[%parallel_loop3A_718, %parallel_loop3A_719, %parallel_loop3A_720] {strides = array<i32>} : memref<4x64x128xf32, #tpu.memory_space<vmem>>, vector<1x1x16xf32>,
      %parallel_loop3A_722 = vector.shape_cast %parallel_loop3A_721 : vector<1x1x16xf32> to vector<16xf32>
      %parallel_loop3A_723 = vector.shape_cast %parallel_loop3A_714 : vector<16xf32> to vector<1x1x16xf32>
      tpu.vector_store %arg11[%parallel_loop3A_718, %parallel_loop3A_719, %parallel_loop3A_720], %parallel_loop3A_723 {add = true, strides = array<i32>} : memref<4x64x128xf32, #tpu.memory_space<vmem>>, vector<1x1x16xf32>,
      %parallel_loop3A_724 = arith.constant 0 : i32
      %parallel_loop3A_725 = arith.addi %parallel_loop3A_660, %parallel_loop3A_724 : i32
      %parallel_loop3A_726 = arith.constant 2 : i32
      %parallel_loop3A_727 = arith.index_cast %parallel_loop3A_726 : i32 to index
      %parallel_loop3A_728 = arith.index_cast %parallel_loop3A_725 : i32 to index
      %parallel_loop3A_729 = arith.constant 32 : index
      %parallel_loop3A_730 = tpu.vector_load %arg12[%parallel_loop3A_727, %parallel_loop3A_728, %parallel_loop3A_729] {strides = array<i32>} : memref<4x64x128xf32, #tpu.memory_space<vmem>>, vector<1x1x16xf32>,
      %parallel_loop3A_731 = vector.shape_cast %parallel_loop3A_730 : vector<1x1x16xf32> to vector<16xf32>
      %parallel_loop3A_732 = vector.shape_cast %parallel_loop3A_714 : vector<16xf32> to vector<1x1x16xf32>
      tpu.vector_store %arg12[%parallel_loop3A_727, %parallel_loop3A_728, %parallel_loop3A_729], %parallel_loop3A_732 {add = true, strides = array<i32>} : memref<4x64x128xf32, #tpu.memory_space<vmem>>, vector<1x1x16xf32>,
      %parallel_loop3A_733 = arith.constant 0 : i32
      %parallel_loop3A_734 = arith.addi %parallel_loop3A_660, %parallel_loop3A_733 : i32
      %parallel_loop3A_735 = arith.index_cast %parallel_loop3A_734 : i32 to index
      %parallel_loop3A_736 = arith.constant 48 : index
      %parallel_loop3A_737 = tpu.vector_load %arg10[%parallel_loop3A_735, %parallel_loop3A_736] {strides = array<i32>} : memref<64x128xf32, #tpu.memory_space<vmem>>, vector<1x16xf32>,
      %parallel_loop3A_738 = vector.shape_cast %parallel_loop3A_737 : vector<1x16xf32> to vector<16xf32>
      %parallel_loop3A_739 = arith.constant 0 : i32
      %parallel_loop3A_740 = arith.addi %parallel_loop3A_660, %parallel_loop3A_739 : i32
      %parallel_loop3A_741 = arith.constant 2 : i32
      %parallel_loop3A_742 = arith.index_cast %parallel_loop3A_741 : i32 to index
      %parallel_loop3A_743 = arith.index_cast %parallel_loop3A_740 : i32 to index
      %parallel_loop3A_744 = arith.constant 48 : index
      %parallel_loop3A_745 = tpu.vector_load %arg11[%parallel_loop3A_742, %parallel_loop3A_743, %parallel_loop3A_744] {strides = array<i32>} : memref<4x64x128xf32, #tpu.memory_space<vmem>>, vector<1x1x16xf32>,
      %parallel_loop3A_746 = vector.shape_cast %parallel_loop3A_745 : vector<1x1x16xf32> to vector<16xf32>
      %parallel_loop3A_747 = vector.shape_cast %parallel_loop3A_738 : vector<16xf32> to vector<1x1x16xf32>
      tpu.vector_store %arg11[%parallel_loop3A_742, %parallel_loop3A_743, %parallel_loop3A_744], %parallel_loop3A_747 {add = true, strides = array<i32>} : memref<4x64x128xf32, #tpu.memory_space<vmem>>, vector<1x1x16xf32>,
      %parallel_loop3A_748 = arith.constant 0 : i32
      %parallel_loop3A_749 = arith.addi %parallel_loop3A_660, %parallel_loop3A_748 : i32
      %parallel_loop3A_750 = arith.constant 2 : i32
      %parallel_loop3A_751 = arith.index_cast %parallel_loop3A_750 : i32 to index
      %parallel_loop3A_752 = arith.index_cast %parallel_loop3A_749 : i32 to index
      %parallel_loop3A_753 = arith.constant 48 : index
      %parallel_loop3A_754 = tpu.vector_load %arg12[%parallel_loop3A_751, %parallel_loop3A_752, %parallel_loop3A_753] {strides = array<i32>} : memref<4x64x128xf32, #tpu.memory_space<vmem>>, vector<1x1x16xf32>,
      %parallel_loop3A_755 = vector.shape_cast %parallel_loop3A_754 : vector<1x1x16xf32> to vector<16xf32>
      %parallel_loop3A_756 = vector.shape_cast %parallel_loop3A_738 : vector<16xf32> to vector<1x1x16xf32>
      tpu.vector_store %arg12[%parallel_loop3A_751, %parallel_loop3A_752, %parallel_loop3A_753], %parallel_loop3A_756 {add = true, strides = array<i32>} : memref<4x64x128xf32, #tpu.memory_space<vmem>>, vector<1x1x16xf32>,
      %parallel_loop3A_757 = arith.constant 0 : i32
      %parallel_loop3A_758 = arith.addi %parallel_loop3A_660, %parallel_loop3A_757 : i32
      %parallel_loop3A_759 = arith.index_cast %parallel_loop3A_758 : i32 to index
      %parallel_loop3A_760 = arith.constant 64 : index
      %parallel_loop3A_761 = tpu.vector_load %arg10[%parallel_loop3A_759, %parallel_loop3A_760] {strides = array<i32>} : memref<64x128xf32, #tpu.memory_space<vmem>>, vector<1x16xf32>,
      %parallel_loop3A_762 = vector.shape_cast %parallel_loop3A_761 : vector<1x16xf32> to vector<16xf32>
      %parallel_loop3A_763 = arith.constant 0 : i32
      %parallel_loop3A_764 = arith.addi %parallel_loop3A_660, %parallel_loop3A_763 : i32
      %parallel_loop3A_765 = arith.constant 2 : i32
      %parallel_loop3A_766 = arith.index_cast %parallel_loop3A_765 : i32 to index
      %parallel_loop3A_767 = arith.index_cast %parallel_loop3A_764 : i32 to index
      %parallel_loop3A_768 = arith.constant 64 : index
      %parallel_loop3A_769 = tpu.vector_load %arg11[%parallel_loop3A_766, %parallel_loop3A_767, %parallel_loop3A_768] {strides = array<i32>} : memref<4x64x128xf32, #tpu.memory_space<vmem>>, vector<1x1x16xf32>,
      %parallel_loop3A_770 = vector.shape_cast %parallel_loop3A_769 : vector<1x1x16xf32> to vector<16xf32>
      %parallel_loop3A_771 = vector.shape_cast %parallel_loop3A_762 : vector<16xf32> to vector<1x1x16xf32>
      tpu.vector_store %arg11[%parallel_loop3A_766, %parallel_loop3A_767, %parallel_loop3A_768], %parallel_loop3A_771 {add = true, strides = array<i32>} : memref<4x64x128xf32, #tpu.memory_space<vmem>>, vector<1x1x16xf32>,
      %parallel_loop3A_772 = arith.constant 0 : i32
      %parallel_loop3A_773 = arith.addi %parallel_loop3A_660, %parallel_loop3A_772 : i32
      %parallel_loop3A_774 = arith.constant 2 : i32
      %parallel_loop3A_775 = arith.index_cast %parallel_loop3A_774 : i32 to index
      %parallel_loop3A_776 = arith.index_cast %parallel_loop3A_773 : i32 to index
      %parallel_loop3A_777 = arith.constant 64 : index
      %parallel_loop3A_778 = tpu.vector_load %arg12[%parallel_loop3A_775, %parallel_loop3A_776, %parallel_loop3A_777] {strides = array<i32>} : memref<4x64x128xf32, #tpu.memory_space<vmem>>, vector<1x1x16xf32>,
      %parallel_loop3A_779 = vector.shape_cast %parallel_loop3A_778 : vector<1x1x16xf32> to vector<16xf32>
      %parallel_loop3A_780 = vector.shape_cast %parallel_loop3A_762 : vector<16xf32> to vector<1x1x16xf32>
      tpu.vector_store %arg12[%parallel_loop3A_775, %parallel_loop3A_776, %parallel_loop3A_777], %parallel_loop3A_780 {add = true, strides = array<i32>} : memref<4x64x128xf32, #tpu.memory_space<vmem>>, vector<1x1x16xf32>,
      %parallel_loop3A_781 = arith.constant 0 : i32
      %parallel_loop3A_782 = arith.addi %parallel_loop3A_660, %parallel_loop3A_781 : i32
      %parallel_loop3A_783 = arith.index_cast %parallel_loop3A_782 : i32 to index
      %parallel_loop3A_784 = arith.constant 80 : index
      %parallel_loop3A_785 = tpu.vector_load %arg10[%parallel_loop3A_783, %parallel_loop3A_784] {strides = array<i32>} : memref<64x128xf32, #tpu.memory_space<vmem>>, vector<1x16xf32>,
      %parallel_loop3A_786 = vector.shape_cast %parallel_loop3A_785 : vector<1x16xf32> to vector<16xf32>
      %parallel_loop3A_787 = arith.constant 0 : i32
      %parallel_loop3A_788 = arith.addi %parallel_loop3A_660, %parallel_loop3A_787 : i32
      %parallel_loop3A_789 = arith.constant 2 : i32
      %parallel_loop3A_790 = arith.index_cast %parallel_loop3A_789 : i32 to index
      %parallel_loop3A_791 = arith.index_cast %parallel_loop3A_788 : i32 to index
      %parallel_loop3A_792 = arith.constant 80 : index
      %parallel_loop3A_793 = tpu.vector_load %arg11[%parallel_loop3A_790, %parallel_loop3A_791, %parallel_loop3A_792] {strides = array<i32>} : memref<4x64x128xf32, #tpu.memory_space<vmem>>, vector<1x1x16xf32>,
      %parallel_loop3A_794 = vector.shape_cast %parallel_loop3A_793 : vector<1x1x16xf32> to vector<16xf32>
      %parallel_loop3A_795 = vector.shape_cast %parallel_loop3A_786 : vector<16xf32> to vector<1x1x16xf32>
      tpu.vector_store %arg11[%parallel_loop3A_790, %parallel_loop3A_791, %parallel_loop3A_792], %parallel_loop3A_795 {add = true, strides = array<i32>} : memref<4x64x128xf32, #tpu.memory_space<vmem>>, vector<1x1x16xf32>,
      %parallel_loop3A_796 = arith.constant 0 : i32
      %parallel_loop3A_797 = arith.addi %parallel_loop3A_660, %parallel_loop3A_796 : i32
      %parallel_loop3A_798 = arith.constant 2 : i32
      %parallel_loop3A_799 = arith.index_cast %parallel_loop3A_798 : i32 to index
      %parallel_loop3A_800 = arith.index_cast %parallel_loop3A_797 : i32 to index
      %parallel_loop3A_801 = arith.constant 80 : index
      %parallel_loop3A_802 = tpu.vector_load %arg12[%parallel_loop3A_799, %parallel_loop3A_800, %parallel_loop3A_801] {strides = array<i32>} : memref<4x64x128xf32, #tpu.memory_space<vmem>>, vector<1x1x16xf32>,
      %parallel_loop3A_803 = vector.shape_cast %parallel_loop3A_802 : vector<1x1x16xf32> to vector<16xf32>
      %parallel_loop3A_804 = vector.shape_cast %parallel_loop3A_786 : vector<16xf32> to vector<1x1x16xf32>
      tpu.vector_store %arg12[%parallel_loop3A_799, %parallel_loop3A_800, %parallel_loop3A_801], %parallel_loop3A_804 {add = true, strides = array<i32>} : memref<4x64x128xf32, #tpu.memory_space<vmem>>, vector<1x1x16xf32>,
      %parallel_loop3A_805 = arith.constant 0 : i32
      %parallel_loop3A_806 = arith.addi %parallel_loop3A_660, %parallel_loop3A_805 : i32
      %parallel_loop3A_807 = arith.index_cast %parallel_loop3A_806 : i32 to index
      %parallel_loop3A_808 = arith.constant 96 : index
      %parallel_loop3A_809 = tpu.vector_load %arg10[%parallel_loop3A_807, %parallel_loop3A_808] {strides = array<i32>} : memref<64x128xf32, #tpu.memory_space<vmem>>, vector<1x16xf32>,
      %parallel_loop3A_810 = vector.shape_cast %parallel_loop3A_809 : vector<1x16xf32> to vector<16xf32>
      %parallel_loop3A_811 = arith.constant 0 : i32
      %parallel_loop3A_812 = arith.addi %parallel_loop3A_660, %parallel_loop3A_811 : i32
      %parallel_loop3A_813 = arith.constant 2 : i32
      %parallel_loop3A_814 = arith.index_cast %parallel_loop3A_813 : i32 to index
      %parallel_loop3A_815 = arith.index_cast %parallel_loop3A_812 : i32 to index
      %parallel_loop3A_816 = arith.constant 96 : index
      %parallel_loop3A_817 = tpu.vector_load %arg11[%parallel_loop3A_814, %parallel_loop3A_815, %parallel_loop3A_816] {strides = array<i32>} : memref<4x64x128xf32, #tpu.memory_space<vmem>>, vector<1x1x16xf32>,
      %parallel_loop3A_818 = vector.shape_cast %parallel_loop3A_817 : vector<1x1x16xf32> to vector<16xf32>
      %parallel_loop3A_819 = vector.shape_cast %parallel_loop3A_810 : vector<16xf32> to vector<1x1x16xf32>
      tpu.vector_store %arg11[%parallel_loop3A_814, %parallel_loop3A_815, %parallel_loop3A_816], %parallel_loop3A_819 {add = true, strides = array<i32>} : memref<4x64x128xf32, #tpu.memory_space<vmem>>, vector<1x1x16xf32>,
      %parallel_loop3A_820 = arith.constant 0 : i32
      %parallel_loop3A_821 = arith.addi %parallel_loop3A_660, %parallel_loop3A_820 : i32
      %parallel_loop3A_822 = arith.constant 2 : i32
      %parallel_loop3A_823 = arith.index_cast %parallel_loop3A_822 : i32 to index
      %parallel_loop3A_824 = arith.index_cast %parallel_loop3A_821 : i32 to index
      %parallel_loop3A_825 = arith.constant 96 : index
      %parallel_loop3A_826 = tpu.vector_load %arg12[%parallel_loop3A_823, %parallel_loop3A_824, %parallel_loop3A_825] {strides = array<i32>} : memref<4x64x128xf32, #tpu.memory_space<vmem>>, vector<1x1x16xf32>,
      %parallel_loop3A_827 = vector.shape_cast %parallel_loop3A_826 : vector<1x1x16xf32> to vector<16xf32>
      %parallel_loop3A_828 = vector.shape_cast %parallel_loop3A_810 : vector<16xf32> to vector<1x1x16xf32>
      tpu.vector_store %arg12[%parallel_loop3A_823, %parallel_loop3A_824, %parallel_loop3A_825], %parallel_loop3A_828 {add = true, strides = array<i32>} : memref<4x64x128xf32, #tpu.memory_space<vmem>>, vector<1x1x16xf32>,
      %parallel_loop3A_829 = arith.constant 0 : i32
      %parallel_loop3A_830 = arith.addi %parallel_loop3A_660, %parallel_loop3A_829 : i32
      %parallel_loop3A_831 = arith.index_cast %parallel_loop3A_830 : i32 to index
      %parallel_loop3A_832 = arith.constant 112 : index
      %parallel_loop3A_833 = tpu.vector_load %arg10[%parallel_loop3A_831, %parallel_loop3A_832] {strides = array<i32>} : memref<64x128xf32, #tpu.memory_space<vmem>>, vector<1x16xf32>,
      %parallel_loop3A_834 = vector.shape_cast %parallel_loop3A_833 : vector<1x16xf32> to vector<16xf32>
      %parallel_loop3A_835 = arith.constant 0 : i32
      %parallel_loop3A_836 = arith.addi %parallel_loop3A_660, %parallel_loop3A_835 : i32
      %parallel_loop3A_837 = arith.constant 2 : i32
      %parallel_loop3A_838 = arith.index_cast %parallel_loop3A_837 : i32 to index
      %parallel_loop3A_839 = arith.index_cast %parallel_loop3A_836 : i32 to index
      %parallel_loop3A_840 = arith.constant 112 : index
      %parallel_loop3A_841 = tpu.vector_load %arg11[%parallel_loop3A_838, %parallel_loop3A_839, %parallel_loop3A_840] {strides = array<i32>} : memref<4x64x128xf32, #tpu.memory_space<vmem>>, vector<1x1x16xf32>,
      %parallel_loop3A_842 = vector.shape_cast %parallel_loop3A_841 : vector<1x1x16xf32> to vector<16xf32>
      %parallel_loop3A_843 = vector.shape_cast %parallel_loop3A_834 : vector<16xf32> to vector<1x1x16xf32>
      tpu.vector_store %arg11[%parallel_loop3A_838, %parallel_loop3A_839, %parallel_loop3A_840], %parallel_loop3A_843 {add = true, strides = array<i32>} : memref<4x64x128xf32, #tpu.memory_space<vmem>>, vector<1x1x16xf32>,
      %parallel_loop3A_844 = arith.constant 0 : i32
      %parallel_loop3A_845 = arith.addi %parallel_loop3A_660, %parallel_loop3A_844 : i32
      %parallel_loop3A_846 = arith.constant 2 : i32
      %parallel_loop3A_847 = arith.index_cast %parallel_loop3A_846 : i32 to index
      %parallel_loop3A_848 = arith.index_cast %parallel_loop3A_845 : i32 to index
      %parallel_loop3A_849 = arith.constant 112 : index
      %parallel_loop3A_850 = tpu.vector_load %arg12[%parallel_loop3A_847, %parallel_loop3A_848, %parallel_loop3A_849] {strides = array<i32>} : memref<4x64x128xf32, #tpu.memory_space<vmem>>, vector<1x1x16xf32>,
      %parallel_loop3A_851 = vector.shape_cast %parallel_loop3A_850 : vector<1x1x16xf32> to vector<16xf32>
      %parallel_loop3A_852 = vector.shape_cast %parallel_loop3A_834 : vector<16xf32> to vector<1x1x16xf32>
      tpu.vector_store %arg12[%parallel_loop3A_847, %parallel_loop3A_848, %parallel_loop3A_849], %parallel_loop3A_852 {add = true, strides = array<i32>} : memref<4x64x128xf32, #tpu.memory_space<vmem>>, vector<1x1x16xf32>,
    } {sc.loop_unroll_factor = 1 : i64, sc.parallel_access}
    %dma_start3A_441 = arith.constant 2 : i32
    %dma_start3A_442 = arith.constant 2 : i32
    %dma_start3A_443 = arith.constant 0 : i32
    %dma_start3A_444 = arith.constant 0 : i32
    %dma_start3A_445 = tpu.memref_slice %arg11[%dma_start3A_441, %dma_start3A_443, %dma_start3A_444] : memref<4x64x128xf32, #tpu.memory_space<vmem>> -> memref<1x64x128xf32, #tpu.memory_space<vmem>>
    %dma_start3A_446 = tpu.memref_squeeze %dma_start3A_445 : memref<1x64x128xf32, #tpu.memory_space<vmem>> -> memref<64x128xf32, #tpu.memory_space<vmem>>
    %dma_start3A_447 = arith.constant 0 : i32
    %dma_start3A_448 = tpu.memref_slice %arg6[%dma_start3A_442, %mul3A_2, %dma_start3A_447] : memref<4x2048x128xf32, #tpu.memory_space<hbm>> -> memref<1x64x128xf32, #tpu.memory_space<hbm>>
    %dma_start3A_449 = tpu.memref_squeeze %dma_start3A_448 : memref<1x64x128xf32, #tpu.memory_space<hbm>> -> memref<64x128xf32, #tpu.memory_space<hbm>>
    %dma_start3A_450 = arith.constant 0 : i32
    %dma_start3A_451 = tpu.memref_slice %arg6[%dma_start3A_442, %mul3A_2, %dma_start3A_450] : memref<4x2048x128xf32, #tpu.memory_space<hbm>> -> memref<1x64x128xf32, #tpu.memory_space<hbm>>
    %dma_start3A_452 = tpu.memref_squeeze %dma_start3A_451 : memref<1x64x128xf32, #tpu.memory_space<hbm>> -> memref<64x128xf32, #tpu.memory_space<hbm>>
    %dma_start3A_453 = arith.constant 0 : i32
    %dma_start3A_454 = arith.constant 0 : i32
    %dma_start3A_455 = tpu.memref_slice %arg11[%dma_start3A_441, %dma_start3A_453, %dma_start3A_454] : memref<4x64x128xf32, #tpu.memory_space<vmem>> -> memref<1x64x128xf32, #tpu.memory_space<vmem>>
    %dma_start3A_456 = tpu.memref_squeeze %dma_start3A_455 : memref<1x64x128xf32, #tpu.memory_space<vmem>> -> memref<64x128xf32, #tpu.memory_space<vmem>>
    tpu.enqueue_dma source(%dma_start3A_456 : memref<64x128xf32, #tpu.memory_space<vmem>>) target(%dma_start3A_452 : memref<64x128xf32, #tpu.memory_space<hbm>>) target_semaphore(%arg20 : memref<!tpu.dma_semaphore, #tpu.memory_space<semaphore_mem>>)
    %dma_start3A_457 = arith.constant 2 : i32
    %dma_start3A_458 = arith.constant 2 : i32
    %dma_start3A_459 = arith.constant 0 : i32
    %dma_start3A_460 = arith.constant 0 : i32
    %dma_start3A_461 = tpu.memref_slice %arg12[%dma_start3A_457, %dma_start3A_459, %dma_start3A_460] : memref<4x64x128xf32, #tpu.memory_space<vmem>> -> memref<1x64x128xf32, #tpu.memory_space<vmem>>
    %dma_start3A_462 = tpu.memref_squeeze %dma_start3A_461 : memref<1x64x128xf32, #tpu.memory_space<vmem>> -> memref<64x128xf32, #tpu.memory_space<vmem>>
    %dma_start3A_463 = arith.constant 0 : i32
    %dma_start3A_464 = tpu.memref_slice %arg7[%dma_start3A_458, %mul3A_2, %dma_start3A_463] : memref<4x2048x128xf32, #tpu.memory_space<hbm>> -> memref<1x64x128xf32, #tpu.memory_space<hbm>>
    %dma_start3A_465 = tpu.memref_squeeze %dma_start3A_464 : memref<1x64x128xf32, #tpu.memory_space<hbm>> -> memref<64x128xf32, #tpu.memory_space<hbm>>
    %dma_start3A_466 = arith.constant 0 : i32
    %dma_start3A_467 = tpu.memref_slice %arg7[%dma_start3A_458, %mul3A_2, %dma_start3A_466] : memref<4x2048x128xf32, #tpu.memory_space<hbm>> -> memref<1x64x128xf32, #tpu.memory_space<hbm>>
    %dma_start3A_468 = tpu.memref_squeeze %dma_start3A_467 : memref<1x64x128xf32, #tpu.memory_space<hbm>> -> memref<64x128xf32, #tpu.memory_space<hbm>>
    %dma_start3A_469 = arith.constant 0 : i32
    %dma_start3A_470 = arith.constant 0 : i32
    %dma_start3A_471 = tpu.memref_slice %arg12[%dma_start3A_457, %dma_start3A_469, %dma_start3A_470] : memref<4x64x128xf32, #tpu.memory_space<vmem>> -> memref<1x64x128xf32, #tpu.memory_space<vmem>>
    %dma_start3A_472 = tpu.memref_squeeze %dma_start3A_471 : memref<1x64x128xf32, #tpu.memory_space<vmem>> -> memref<64x128xf32, #tpu.memory_space<vmem>>
    tpu.enqueue_dma source(%dma_start3A_472 : memref<64x128xf32, #tpu.memory_space<vmem>>) target(%dma_start3A_468 : memref<64x128xf32, #tpu.memory_space<hbm>>) target_semaphore(%arg21 : memref<!tpu.dma_semaphore, #tpu.memory_space<semaphore_mem>>)
    %dma_wait3A_473 = arith.constant 3 : i32
    %dma_wait3A_474 = arith.constant 3 : i32
    %dma_wait3A_475 = arith.constant 0 : i32
    %dma_wait3A_476 = arith.constant 0 : i32
    %dma_wait3A_477 = tpu.memref_slice %arg11[%dma_wait3A_474, %dma_wait3A_475, %dma_wait3A_476] : memref<4x64x128xf32, #tpu.memory_space<vmem>> -> memref<1x64x128xf32, #tpu.memory_space<vmem>>
    %dma_wait3A_478 = tpu.memref_squeeze %dma_wait3A_477 : memref<1x64x128xf32, #tpu.memory_space<vmem>> -> memref<64x128xf32, #tpu.memory_space<vmem>>
    %dma_wait3A_479 = arith.constant 0 : i32
    %dma_wait3A_480 = tpu.memref_slice %arg8[%dma_wait3A_473, %dma_wait3A_479] : memref<4x64xi32, #tpu.memory_space<vmem>> -> memref<1x64xi32, #tpu.memory_space<vmem>>
    %dma_wait3A_481 = tpu.memref_squeeze %dma_wait3A_480 : memref<1x64xi32, #tpu.memory_space<vmem>> -> memref<64xi32, #tpu.memory_space<vmem>>
    %dma_wait3A_482 = arith.constant 0 : i32
    %dma_wait3A_483 = arith.constant 0 : i32
    %dma_wait3A_484 = tpu.memref_slice %arg2[%dma_wait3A_482, %dma_wait3A_483] : memref<100000x128xf32, #tpu.memory_space<hbm>> -> memref<100000x128xf32, #tpu.memory_space<hbm>>
    tpu.wait_indirect_dma semaphore(%arg22 : memref<!tpu.dma_semaphore, #tpu.memory_space<semaphore_mem>>) src(%dma_wait3A_484 : memref<100000x128xf32, #tpu.memory_space<hbm>>) dst(%dma_wait3A_478 : memref<64x128xf32, #tpu.memory_space<vmem>>)
    %dma_wait3A_485 = arith.constant 3 : i32
    %dma_wait3A_486 = arith.constant 3 : i32
    %dma_wait3A_487 = arith.constant 0 : i32
    %dma_wait3A_488 = arith.constant 0 : i32
    %dma_wait3A_489 = tpu.memref_slice %arg12[%dma_wait3A_486, %dma_wait3A_487, %dma_wait3A_488] : memref<4x64x128xf32, #tpu.memory_space<vmem>> -> memref<1x64x128xf32, #tpu.memory_space<vmem>>
    %dma_wait3A_490 = tpu.memref_squeeze %dma_wait3A_489 : memref<1x64x128xf32, #tpu.memory_space<vmem>> -> memref<64x128xf32, #tpu.memory_space<vmem>>
    %dma_wait3A_491 = arith.constant 0 : i32
    %dma_wait3A_492 = tpu.memref_slice %arg9[%dma_wait3A_485, %dma_wait3A_491] : memref<4x64xi32, #tpu.memory_space<vmem>> -> memref<1x64xi32, #tpu.memory_space<vmem>>
    %dma_wait3A_493 = tpu.memref_squeeze %dma_wait3A_492 : memref<1x64xi32, #tpu.memory_space<vmem>> -> memref<64xi32, #tpu.memory_space<vmem>>
    %dma_wait3A_494 = arith.constant 0 : i32
    %dma_wait3A_495 = arith.constant 0 : i32
    %dma_wait3A_496 = tpu.memref_slice %arg2[%dma_wait3A_494, %dma_wait3A_495] : memref<100000x128xf32, #tpu.memory_space<hbm>> -> memref<100000x128xf32, #tpu.memory_space<hbm>>
    tpu.wait_indirect_dma semaphore(%arg23 : memref<!tpu.dma_semaphore, #tpu.memory_space<semaphore_mem>>) src(%dma_wait3A_496 : memref<100000x128xf32, #tpu.memory_space<hbm>>) dst(%dma_wait3A_490 : memref<64x128xf32, #tpu.memory_space<vmem>>)
    %parallel_loop3A_497 = arith.constant 0 : i32
    %parallel_loop3A_498 = arith.constant 64 : i32
    %parallel_loop3A_499 = arith.constant 1 : i32
    scf.for %parallel_loop3A_660 = %parallel_loop3A_497 to %parallel_loop3A_498 step %parallel_loop3A_499  : i32 {
      %parallel_loop3A_661 = arith.constant 0 : i32
      %parallel_loop3A_662 = arith.addi %parallel_loop3A_660, %parallel_loop3A_661 : i32
      %parallel_loop3A_663 = arith.index_cast %parallel_loop3A_662 : i32 to index
      %parallel_loop3A_664 = arith.constant 0 : index
      %parallel_loop3A_665 = tpu.vector_load %arg10[%parallel_loop3A_663, %parallel_loop3A_664] {strides = array<i32>} : memref<64x128xf32, #tpu.memory_space<vmem>>, vector<1x16xf32>,
      %parallel_loop3A_666 = vector.shape_cast %parallel_loop3A_665 : vector<1x16xf32> to vector<16xf32>
      %parallel_loop3A_667 = arith.constant 0 : i32
      %parallel_loop3A_668 = arith.addi %parallel_loop3A_660, %parallel_loop3A_667 : i32
      %parallel_loop3A_669 = arith.constant 3 : i32
      %parallel_loop3A_670 = arith.index_cast %parallel_loop3A_669 : i32 to index
      %parallel_loop3A_671 = arith.index_cast %parallel_loop3A_668 : i32 to index
      %parallel_loop3A_672 = arith.constant 0 : index
      %parallel_loop3A_673 = tpu.vector_load %arg11[%parallel_loop3A_670, %parallel_loop3A_671, %parallel_loop3A_672] {strides = array<i32>} : memref<4x64x128xf32, #tpu.memory_space<vmem>>, vector<1x1x16xf32>,
      %parallel_loop3A_674 = vector.shape_cast %parallel_loop3A_673 : vector<1x1x16xf32> to vector<16xf32>
      %parallel_loop3A_675 = vector.shape_cast %parallel_loop3A_666 : vector<16xf32> to vector<1x1x16xf32>
      tpu.vector_store %arg11[%parallel_loop3A_670, %parallel_loop3A_671, %parallel_loop3A_672], %parallel_loop3A_675 {add = true, strides = array<i32>} : memref<4x64x128xf32, #tpu.memory_space<vmem>>, vector<1x1x16xf32>,
      %parallel_loop3A_676 = arith.constant 0 : i32
      %parallel_loop3A_677 = arith.addi %parallel_loop3A_660, %parallel_loop3A_676 : i32
      %parallel_loop3A_678 = arith.constant 3 : i32
      %parallel_loop3A_679 = arith.index_cast %parallel_loop3A_678 : i32 to index
      %parallel_loop3A_680 = arith.index_cast %parallel_loop3A_677 : i32 to index
      %parallel_loop3A_681 = arith.constant 0 : index
      %parallel_loop3A_682 = tpu.vector_load %arg12[%parallel_loop3A_679, %parallel_loop3A_680, %parallel_loop3A_681] {strides = array<i32>} : memref<4x64x128xf32, #tpu.memory_space<vmem>>, vector<1x1x16xf32>,
      %parallel_loop3A_683 = vector.shape_cast %parallel_loop3A_682 : vector<1x1x16xf32> to vector<16xf32>
      %parallel_loop3A_684 = vector.shape_cast %parallel_loop3A_666 : vector<16xf32> to vector<1x1x16xf32>
      tpu.vector_store %arg12[%parallel_loop3A_679, %parallel_loop3A_680, %parallel_loop3A_681], %parallel_loop3A_684 {add = true, strides = array<i32>} : memref<4x64x128xf32, #tpu.memory_space<vmem>>, vector<1x1x16xf32>,
      %parallel_loop3A_685 = arith.constant 0 : i32
      %parallel_loop3A_686 = arith.addi %parallel_loop3A_660, %parallel_loop3A_685 : i32
      %parallel_loop3A_687 = arith.index_cast %parallel_loop3A_686 : i32 to index
      %parallel_loop3A_688 = arith.constant 16 : index
      %parallel_loop3A_689 = tpu.vector_load %arg10[%parallel_loop3A_687, %parallel_loop3A_688] {strides = array<i32>} : memref<64x128xf32, #tpu.memory_space<vmem>>, vector<1x16xf32>,
      %parallel_loop3A_690 = vector.shape_cast %parallel_loop3A_689 : vector<1x16xf32> to vector<16xf32>
      %parallel_loop3A_691 = arith.constant 0 : i32
      %parallel_loop3A_692 = arith.addi %parallel_loop3A_660, %parallel_loop3A_691 : i32
      %parallel_loop3A_693 = arith.constant 3 : i32
      %parallel_loop3A_694 = arith.index_cast %parallel_loop3A_693 : i32 to index
      %parallel_loop3A_695 = arith.index_cast %parallel_loop3A_692 : i32 to index
      %parallel_loop3A_696 = arith.constant 16 : index
      %parallel_loop3A_697 = tpu.vector_load %arg11[%parallel_loop3A_694, %parallel_loop3A_695, %parallel_loop3A_696] {strides = array<i32>} : memref<4x64x128xf32, #tpu.memory_space<vmem>>, vector<1x1x16xf32>,
      %parallel_loop3A_698 = vector.shape_cast %parallel_loop3A_697 : vector<1x1x16xf32> to vector<16xf32>
      %parallel_loop3A_699 = vector.shape_cast %parallel_loop3A_690 : vector<16xf32> to vector<1x1x16xf32>
      tpu.vector_store %arg11[%parallel_loop3A_694, %parallel_loop3A_695, %parallel_loop3A_696], %parallel_loop3A_699 {add = true, strides = array<i32>} : memref<4x64x128xf32, #tpu.memory_space<vmem>>, vector<1x1x16xf32>,
      %parallel_loop3A_700 = arith.constant 0 : i32
      %parallel_loop3A_701 = arith.addi %parallel_loop3A_660, %parallel_loop3A_700 : i32
      %parallel_loop3A_702 = arith.constant 3 : i32
      %parallel_loop3A_703 = arith.index_cast %parallel_loop3A_702 : i32 to index
      %parallel_loop3A_704 = arith.index_cast %parallel_loop3A_701 : i32 to index
      %parallel_loop3A_705 = arith.constant 16 : index
      %parallel_loop3A_706 = tpu.vector_load %arg12[%parallel_loop3A_703, %parallel_loop3A_704, %parallel_loop3A_705] {strides = array<i32>} : memref<4x64x128xf32, #tpu.memory_space<vmem>>, vector<1x1x16xf32>,
      %parallel_loop3A_707 = vector.shape_cast %parallel_loop3A_706 : vector<1x1x16xf32> to vector<16xf32>
      %parallel_loop3A_708 = vector.shape_cast %parallel_loop3A_690 : vector<16xf32> to vector<1x1x16xf32>
      tpu.vector_store %arg12[%parallel_loop3A_703, %parallel_loop3A_704, %parallel_loop3A_705], %parallel_loop3A_708 {add = true, strides = array<i32>} : memref<4x64x128xf32, #tpu.memory_space<vmem>>, vector<1x1x16xf32>,
      %parallel_loop3A_709 = arith.constant 0 : i32
      %parallel_loop3A_710 = arith.addi %parallel_loop3A_660, %parallel_loop3A_709 : i32
      %parallel_loop3A_711 = arith.index_cast %parallel_loop3A_710 : i32 to index
      %parallel_loop3A_712 = arith.constant 32 : index
      %parallel_loop3A_713 = tpu.vector_load %arg10[%parallel_loop3A_711, %parallel_loop3A_712] {strides = array<i32>} : memref<64x128xf32, #tpu.memory_space<vmem>>, vector<1x16xf32>,
      %parallel_loop3A_714 = vector.shape_cast %parallel_loop3A_713 : vector<1x16xf32> to vector<16xf32>
      %parallel_loop3A_715 = arith.constant 0 : i32
      %parallel_loop3A_716 = arith.addi %parallel_loop3A_660, %parallel_loop3A_715 : i32
      %parallel_loop3A_717 = arith.constant 3 : i32
      %parallel_loop3A_718 = arith.index_cast %parallel_loop3A_717 : i32 to index
      %parallel_loop3A_719 = arith.index_cast %parallel_loop3A_716 : i32 to index
      %parallel_loop3A_720 = arith.constant 32 : index
      %parallel_loop3A_721 = tpu.vector_load %arg11[%parallel_loop3A_718, %parallel_loop3A_719, %parallel_loop3A_720] {strides = array<i32>} : memref<4x64x128xf32, #tpu.memory_space<vmem>>, vector<1x1x16xf32>,
      %parallel_loop3A_722 = vector.shape_cast %parallel_loop3A_721 : vector<1x1x16xf32> to vector<16xf32>
      %parallel_loop3A_723 = vector.shape_cast %parallel_loop3A_714 : vector<16xf32> to vector<1x1x16xf32>
      tpu.vector_store %arg11[%parallel_loop3A_718, %parallel_loop3A_719, %parallel_loop3A_720], %parallel_loop3A_723 {add = true, strides = array<i32>} : memref<4x64x128xf32, #tpu.memory_space<vmem>>, vector<1x1x16xf32>,
      %parallel_loop3A_724 = arith.constant 0 : i32
      %parallel_loop3A_725 = arith.addi %parallel_loop3A_660, %parallel_loop3A_724 : i32
      %parallel_loop3A_726 = arith.constant 3 : i32
      %parallel_loop3A_727 = arith.index_cast %parallel_loop3A_726 : i32 to index
      %parallel_loop3A_728 = arith.index_cast %parallel_loop3A_725 : i32 to index
      %parallel_loop3A_729 = arith.constant 32 : index
      %parallel_loop3A_730 = tpu.vector_load %arg12[%parallel_loop3A_727, %parallel_loop3A_728, %parallel_loop3A_729] {strides = array<i32>} : memref<4x64x128xf32, #tpu.memory_space<vmem>>, vector<1x1x16xf32>,
      %parallel_loop3A_731 = vector.shape_cast %parallel_loop3A_730 : vector<1x1x16xf32> to vector<16xf32>
      %parallel_loop3A_732 = vector.shape_cast %parallel_loop3A_714 : vector<16xf32> to vector<1x1x16xf32>
      tpu.vector_store %arg12[%parallel_loop3A_727, %parallel_loop3A_728, %parallel_loop3A_729], %parallel_loop3A_732 {add = true, strides = array<i32>} : memref<4x64x128xf32, #tpu.memory_space<vmem>>, vector<1x1x16xf32>,
      %parallel_loop3A_733 = arith.constant 0 : i32
      %parallel_loop3A_734 = arith.addi %parallel_loop3A_660, %parallel_loop3A_733 : i32
      %parallel_loop3A_735 = arith.index_cast %parallel_loop3A_734 : i32 to index
      %parallel_loop3A_736 = arith.constant 48 : index
      %parallel_loop3A_737 = tpu.vector_load %arg10[%parallel_loop3A_735, %parallel_loop3A_736] {strides = array<i32>} : memref<64x128xf32, #tpu.memory_space<vmem>>, vector<1x16xf32>,
      %parallel_loop3A_738 = vector.shape_cast %parallel_loop3A_737 : vector<1x16xf32> to vector<16xf32>
      %parallel_loop3A_739 = arith.constant 0 : i32
      %parallel_loop3A_740 = arith.addi %parallel_loop3A_660, %parallel_loop3A_739 : i32
      %parallel_loop3A_741 = arith.constant 3 : i32
      %parallel_loop3A_742 = arith.index_cast %parallel_loop3A_741 : i32 to index
      %parallel_loop3A_743 = arith.index_cast %parallel_loop3A_740 : i32 to index
      %parallel_loop3A_744 = arith.constant 48 : index
      %parallel_loop3A_745 = tpu.vector_load %arg11[%parallel_loop3A_742, %parallel_loop3A_743, %parallel_loop3A_744] {strides = array<i32>} : memref<4x64x128xf32, #tpu.memory_space<vmem>>, vector<1x1x16xf32>,
      %parallel_loop3A_746 = vector.shape_cast %parallel_loop3A_745 : vector<1x1x16xf32> to vector<16xf32>
      %parallel_loop3A_747 = vector.shape_cast %parallel_loop3A_738 : vector<16xf32> to vector<1x1x16xf32>
      tpu.vector_store %arg11[%parallel_loop3A_742, %parallel_loop3A_743, %parallel_loop3A_744], %parallel_loop3A_747 {add = true, strides = array<i32>} : memref<4x64x128xf32, #tpu.memory_space<vmem>>, vector<1x1x16xf32>,
      %parallel_loop3A_748 = arith.constant 0 : i32
      %parallel_loop3A_749 = arith.addi %parallel_loop3A_660, %parallel_loop3A_748 : i32
      %parallel_loop3A_750 = arith.constant 3 : i32
      %parallel_loop3A_751 = arith.index_cast %parallel_loop3A_750 : i32 to index
      %parallel_loop3A_752 = arith.index_cast %parallel_loop3A_749 : i32 to index
      %parallel_loop3A_753 = arith.constant 48 : index
      %parallel_loop3A_754 = tpu.vector_load %arg12[%parallel_loop3A_751, %parallel_loop3A_752, %parallel_loop3A_753] {strides = array<i32>} : memref<4x64x128xf32, #tpu.memory_space<vmem>>, vector<1x1x16xf32>,
      %parallel_loop3A_755 = vector.shape_cast %parallel_loop3A_754 : vector<1x1x16xf32> to vector<16xf32>
      %parallel_loop3A_756 = vector.shape_cast %parallel_loop3A_738 : vector<16xf32> to vector<1x1x16xf32>
      tpu.vector_store %arg12[%parallel_loop3A_751, %parallel_loop3A_752, %parallel_loop3A_753], %parallel_loop3A_756 {add = true, strides = array<i32>} : memref<4x64x128xf32, #tpu.memory_space<vmem>>, vector<1x1x16xf32>,
      %parallel_loop3A_757 = arith.constant 0 : i32
      %parallel_loop3A_758 = arith.addi %parallel_loop3A_660, %parallel_loop3A_757 : i32
      %parallel_loop3A_759 = arith.index_cast %parallel_loop3A_758 : i32 to index
      %parallel_loop3A_760 = arith.constant 64 : index
      %parallel_loop3A_761 = tpu.vector_load %arg10[%parallel_loop3A_759, %parallel_loop3A_760] {strides = array<i32>} : memref<64x128xf32, #tpu.memory_space<vmem>>, vector<1x16xf32>,
      %parallel_loop3A_762 = vector.shape_cast %parallel_loop3A_761 : vector<1x16xf32> to vector<16xf32>
      %parallel_loop3A_763 = arith.constant 0 : i32
      %parallel_loop3A_764 = arith.addi %parallel_loop3A_660, %parallel_loop3A_763 : i32
      %parallel_loop3A_765 = arith.constant 3 : i32
      %parallel_loop3A_766 = arith.index_cast %parallel_loop3A_765 : i32 to index
      %parallel_loop3A_767 = arith.index_cast %parallel_loop3A_764 : i32 to index
      %parallel_loop3A_768 = arith.constant 64 : index
      %parallel_loop3A_769 = tpu.vector_load %arg11[%parallel_loop3A_766, %parallel_loop3A_767, %parallel_loop3A_768] {strides = array<i32>} : memref<4x64x128xf32, #tpu.memory_space<vmem>>, vector<1x1x16xf32>,
      %parallel_loop3A_770 = vector.shape_cast %parallel_loop3A_769 : vector<1x1x16xf32> to vector<16xf32>
      %parallel_loop3A_771 = vector.shape_cast %parallel_loop3A_762 : vector<16xf32> to vector<1x1x16xf32>
      tpu.vector_store %arg11[%parallel_loop3A_766, %parallel_loop3A_767, %parallel_loop3A_768], %parallel_loop3A_771 {add = true, strides = array<i32>} : memref<4x64x128xf32, #tpu.memory_space<vmem>>, vector<1x1x16xf32>,
      %parallel_loop3A_772 = arith.constant 0 : i32
      %parallel_loop3A_773 = arith.addi %parallel_loop3A_660, %parallel_loop3A_772 : i32
      %parallel_loop3A_774 = arith.constant 3 : i32
      %parallel_loop3A_775 = arith.index_cast %parallel_loop3A_774 : i32 to index
      %parallel_loop3A_776 = arith.index_cast %parallel_loop3A_773 : i32 to index
      %parallel_loop3A_777 = arith.constant 64 : index
      %parallel_loop3A_778 = tpu.vector_load %arg12[%parallel_loop3A_775, %parallel_loop3A_776, %parallel_loop3A_777] {strides = array<i32>} : memref<4x64x128xf32, #tpu.memory_space<vmem>>, vector<1x1x16xf32>,
      %parallel_loop3A_779 = vector.shape_cast %parallel_loop3A_778 : vector<1x1x16xf32> to vector<16xf32>
      %parallel_loop3A_780 = vector.shape_cast %parallel_loop3A_762 : vector<16xf32> to vector<1x1x16xf32>
      tpu.vector_store %arg12[%parallel_loop3A_775, %parallel_loop3A_776, %parallel_loop3A_777], %parallel_loop3A_780 {add = true, strides = array<i32>} : memref<4x64x128xf32, #tpu.memory_space<vmem>>, vector<1x1x16xf32>,
      %parallel_loop3A_781 = arith.constant 0 : i32
      %parallel_loop3A_782 = arith.addi %parallel_loop3A_660, %parallel_loop3A_781 : i32
      %parallel_loop3A_783 = arith.index_cast %parallel_loop3A_782 : i32 to index
      %parallel_loop3A_784 = arith.constant 80 : index
      %parallel_loop3A_785 = tpu.vector_load %arg10[%parallel_loop3A_783, %parallel_loop3A_784] {strides = array<i32>} : memref<64x128xf32, #tpu.memory_space<vmem>>, vector<1x16xf32>,
      %parallel_loop3A_786 = vector.shape_cast %parallel_loop3A_785 : vector<1x16xf32> to vector<16xf32>
      %parallel_loop3A_787 = arith.constant 0 : i32
      %parallel_loop3A_788 = arith.addi %parallel_loop3A_660, %parallel_loop3A_787 : i32
      %parallel_loop3A_789 = arith.constant 3 : i32
      %parallel_loop3A_790 = arith.index_cast %parallel_loop3A_789 : i32 to index
      %parallel_loop3A_791 = arith.index_cast %parallel_loop3A_788 : i32 to index
      %parallel_loop3A_792 = arith.constant 80 : index
      %parallel_loop3A_793 = tpu.vector_load %arg11[%parallel_loop3A_790, %parallel_loop3A_791, %parallel_loop3A_792] {strides = array<i32>} : memref<4x64x128xf32, #tpu.memory_space<vmem>>, vector<1x1x16xf32>,
      %parallel_loop3A_794 = vector.shape_cast %parallel_loop3A_793 : vector<1x1x16xf32> to vector<16xf32>
      %parallel_loop3A_795 = vector.shape_cast %parallel_loop3A_786 : vector<16xf32> to vector<1x1x16xf32>
      tpu.vector_store %arg11[%parallel_loop3A_790, %parallel_loop3A_791, %parallel_loop3A_792], %parallel_loop3A_795 {add = true, strides = array<i32>} : memref<4x64x128xf32, #tpu.memory_space<vmem>>, vector<1x1x16xf32>,
      %parallel_loop3A_796 = arith.constant 0 : i32
      %parallel_loop3A_797 = arith.addi %parallel_loop3A_660, %parallel_loop3A_796 : i32
      %parallel_loop3A_798 = arith.constant 3 : i32
      %parallel_loop3A_799 = arith.index_cast %parallel_loop3A_798 : i32 to index
      %parallel_loop3A_800 = arith.index_cast %parallel_loop3A_797 : i32 to index
      %parallel_loop3A_801 = arith.constant 80 : index
      %parallel_loop3A_802 = tpu.vector_load %arg12[%parallel_loop3A_799, %parallel_loop3A_800, %parallel_loop3A_801] {strides = array<i32>} : memref<4x64x128xf32, #tpu.memory_space<vmem>>, vector<1x1x16xf32>,
      %parallel_loop3A_803 = vector.shape_cast %parallel_loop3A_802 : vector<1x1x16xf32> to vector<16xf32>
      %parallel_loop3A_804 = vector.shape_cast %parallel_loop3A_786 : vector<16xf32> to vector<1x1x16xf32>
      tpu.vector_store %arg12[%parallel_loop3A_799, %parallel_loop3A_800, %parallel_loop3A_801], %parallel_loop3A_804 {add = true, strides = array<i32>} : memref<4x64x128xf32, #tpu.memory_space<vmem>>, vector<1x1x16xf32>,
      %parallel_loop3A_805 = arith.constant 0 : i32
      %parallel_loop3A_806 = arith.addi %parallel_loop3A_660, %parallel_loop3A_805 : i32
      %parallel_loop3A_807 = arith.index_cast %parallel_loop3A_806 : i32 to index
      %parallel_loop3A_808 = arith.constant 96 : index
      %parallel_loop3A_809 = tpu.vector_load %arg10[%parallel_loop3A_807, %parallel_loop3A_808] {strides = array<i32>} : memref<64x128xf32, #tpu.memory_space<vmem>>, vector<1x16xf32>,
      %parallel_loop3A_810 = vector.shape_cast %parallel_loop3A_809 : vector<1x16xf32> to vector<16xf32>
      %parallel_loop3A_811 = arith.constant 0 : i32
      %parallel_loop3A_812 = arith.addi %parallel_loop3A_660, %parallel_loop3A_811 : i32
      %parallel_loop3A_813 = arith.constant 3 : i32
      %parallel_loop3A_814 = arith.index_cast %parallel_loop3A_813 : i32 to index
      %parallel_loop3A_815 = arith.index_cast %parallel_loop3A_812 : i32 to index
      %parallel_loop3A_816 = arith.constant 96 : index
      %parallel_loop3A_817 = tpu.vector_load %arg11[%parallel_loop3A_814, %parallel_loop3A_815, %parallel_loop3A_816] {strides = array<i32>} : memref<4x64x128xf32, #tpu.memory_space<vmem>>, vector<1x1x16xf32>,
      %parallel_loop3A_818 = vector.shape_cast %parallel_loop3A_817 : vector<1x1x16xf32> to vector<16xf32>
      %parallel_loop3A_819 = vector.shape_cast %parallel_loop3A_810 : vector<16xf32> to vector<1x1x16xf32>
      tpu.vector_store %arg11[%parallel_loop3A_814, %parallel_loop3A_815, %parallel_loop3A_816], %parallel_loop3A_819 {add = true, strides = array<i32>} : memref<4x64x128xf32, #tpu.memory_space<vmem>>, vector<1x1x16xf32>,
      %parallel_loop3A_820 = arith.constant 0 : i32
      %parallel_loop3A_821 = arith.addi %parallel_loop3A_660, %parallel_loop3A_820 : i32
      %parallel_loop3A_822 = arith.constant 3 : i32
      %parallel_loop3A_823 = arith.index_cast %parallel_loop3A_822 : i32 to index
      %parallel_loop3A_824 = arith.index_cast %parallel_loop3A_821 : i32 to index
      %parallel_loop3A_825 = arith.constant 96 : index
      %parallel_loop3A_826 = tpu.vector_load %arg12[%parallel_loop3A_823, %parallel_loop3A_824, %parallel_loop3A_825] {strides = array<i32>} : memref<4x64x128xf32, #tpu.memory_space<vmem>>, vector<1x1x16xf32>,
      %parallel_loop3A_827 = vector.shape_cast %parallel_loop3A_826 : vector<1x1x16xf32> to vector<16xf32>
      %parallel_loop3A_828 = vector.shape_cast %parallel_loop3A_810 : vector<16xf32> to vector<1x1x16xf32>
      tpu.vector_store %arg12[%parallel_loop3A_823, %parallel_loop3A_824, %parallel_loop3A_825], %parallel_loop3A_828 {add = true, strides = array<i32>} : memref<4x64x128xf32, #tpu.memory_space<vmem>>, vector<1x1x16xf32>,
      %parallel_loop3A_829 = arith.constant 0 : i32
      %parallel_loop3A_830 = arith.addi %parallel_loop3A_660, %parallel_loop3A_829 : i32
      %parallel_loop3A_831 = arith.index_cast %parallel_loop3A_830 : i32 to index
      %parallel_loop3A_832 = arith.constant 112 : index
      %parallel_loop3A_833 = tpu.vector_load %arg10[%parallel_loop3A_831, %parallel_loop3A_832] {strides = array<i32>} : memref<64x128xf32, #tpu.memory_space<vmem>>, vector<1x16xf32>,
      %parallel_loop3A_834 = vector.shape_cast %parallel_loop3A_833 : vector<1x16xf32> to vector<16xf32>
      %parallel_loop3A_835 = arith.constant 0 : i32
      %parallel_loop3A_836 = arith.addi %parallel_loop3A_660, %parallel_loop3A_835 : i32
      %parallel_loop3A_837 = arith.constant 3 : i32
      %parallel_loop3A_838 = arith.index_cast %parallel_loop3A_837 : i32 to index
      %parallel_loop3A_839 = arith.index_cast %parallel_loop3A_836 : i32 to index
      %parallel_loop3A_840 = arith.constant 112 : index
      %parallel_loop3A_841 = tpu.vector_load %arg11[%parallel_loop3A_838, %parallel_loop3A_839, %parallel_loop3A_840] {strides = array<i32>} : memref<4x64x128xf32, #tpu.memory_space<vmem>>, vector<1x1x16xf32>,
      %parallel_loop3A_842 = vector.shape_cast %parallel_loop3A_841 : vector<1x1x16xf32> to vector<16xf32>
      %parallel_loop3A_843 = vector.shape_cast %parallel_loop3A_834 : vector<16xf32> to vector<1x1x16xf32>
      tpu.vector_store %arg11[%parallel_loop3A_838, %parallel_loop3A_839, %parallel_loop3A_840], %parallel_loop3A_843 {add = true, strides = array<i32>} : memref<4x64x128xf32, #tpu.memory_space<vmem>>, vector<1x1x16xf32>,
      %parallel_loop3A_844 = arith.constant 0 : i32
      %parallel_loop3A_845 = arith.addi %parallel_loop3A_660, %parallel_loop3A_844 : i32
      %parallel_loop3A_846 = arith.constant 3 : i32
      %parallel_loop3A_847 = arith.index_cast %parallel_loop3A_846 : i32 to index
      %parallel_loop3A_848 = arith.index_cast %parallel_loop3A_845 : i32 to index
      %parallel_loop3A_849 = arith.constant 112 : index
      %parallel_loop3A_850 = tpu.vector_load %arg12[%parallel_loop3A_847, %parallel_loop3A_848, %parallel_loop3A_849] {strides = array<i32>} : memref<4x64x128xf32, #tpu.memory_space<vmem>>, vector<1x1x16xf32>,
      %parallel_loop3A_851 = vector.shape_cast %parallel_loop3A_850 : vector<1x1x16xf32> to vector<16xf32>
      %parallel_loop3A_852 = vector.shape_cast %parallel_loop3A_834 : vector<16xf32> to vector<1x1x16xf32>
      tpu.vector_store %arg12[%parallel_loop3A_847, %parallel_loop3A_848, %parallel_loop3A_849], %parallel_loop3A_852 {add = true, strides = array<i32>} : memref<4x64x128xf32, #tpu.memory_space<vmem>>, vector<1x1x16xf32>,
    } {sc.loop_unroll_factor = 1 : i64, sc.parallel_access}
    %dma_start3A_500 = arith.constant 3 : i32
    %dma_start3A_501 = arith.constant 3 : i32
    %dma_start3A_502 = arith.constant 0 : i32
    %dma_start3A_503 = arith.constant 0 : i32
    %dma_start3A_504 = tpu.memref_slice %arg11[%dma_start3A_500, %dma_start3A_502, %dma_start3A_503] : memref<4x64x128xf32, #tpu.memory_space<vmem>> -> memref<1x64x128xf32, #tpu.memory_space<vmem>>
    %dma_start3A_505 = tpu.memref_squeeze %dma_start3A_504 : memref<1x64x128xf32, #tpu.memory_space<vmem>> -> memref<64x128xf32, #tpu.memory_space<vmem>>
    %dma_start3A_506 = arith.constant 0 : i32
    %dma_start3A_507 = tpu.memref_slice %arg6[%dma_start3A_501, %mul3A_2, %dma_start3A_506] : memref<4x2048x128xf32, #tpu.memory_space<hbm>> -> memref<1x64x128xf32, #tpu.memory_space<hbm>>
    %dma_start3A_508 = tpu.memref_squeeze %dma_start3A_507 : memref<1x64x128xf32, #tpu.memory_space<hbm>> -> memref<64x128xf32, #tpu.memory_space<hbm>>
    %dma_start3A_509 = arith.constant 0 : i32
    %dma_start3A_510 = tpu.memref_slice %arg6[%dma_start3A_501, %mul3A_2, %dma_start3A_509] : memref<4x2048x128xf32, #tpu.memory_space<hbm>> -> memref<1x64x128xf32, #tpu.memory_space<hbm>>
    %dma_start3A_511 = tpu.memref_squeeze %dma_start3A_510 : memref<1x64x128xf32, #tpu.memory_space<hbm>> -> memref<64x128xf32, #tpu.memory_space<hbm>>
    %dma_start3A_512 = arith.constant 0 : i32
    %dma_start3A_513 = arith.constant 0 : i32
    %dma_start3A_514 = tpu.memref_slice %arg11[%dma_start3A_500, %dma_start3A_512, %dma_start3A_513] : memref<4x64x128xf32, #tpu.memory_space<vmem>> -> memref<1x64x128xf32, #tpu.memory_space<vmem>>
    %dma_start3A_515 = tpu.memref_squeeze %dma_start3A_514 : memref<1x64x128xf32, #tpu.memory_space<vmem>> -> memref<64x128xf32, #tpu.memory_space<vmem>>
    tpu.enqueue_dma source(%dma_start3A_515 : memref<64x128xf32, #tpu.memory_space<vmem>>) target(%dma_start3A_511 : memref<64x128xf32, #tpu.memory_space<hbm>>) target_semaphore(%arg22 : memref<!tpu.dma_semaphore, #tpu.memory_space<semaphore_mem>>)
    %dma_start3A_516 = arith.constant 3 : i32
    %dma_start3A_517 = arith.constant 3 : i32
    %dma_start3A_518 = arith.constant 0 : i32
    %dma_start3A_519 = arith.constant 0 : i32
    %dma_start3A_520 = tpu.memref_slice %arg12[%dma_start3A_516, %dma_start3A_518, %dma_start3A_519] : memref<4x64x128xf32, #tpu.memory_space<vmem>> -> memref<1x64x128xf32, #tpu.memory_space<vmem>>
    %dma_start3A_521 = tpu.memref_squeeze %dma_start3A_520 : memref<1x64x128xf32, #tpu.memory_space<vmem>> -> memref<64x128xf32, #tpu.memory_space<vmem>>
    %dma_start3A_522 = arith.constant 0 : i32
    %dma_start3A_523 = tpu.memref_slice %arg7[%dma_start3A_517, %mul3A_2, %dma_start3A_522] : memref<4x2048x128xf32, #tpu.memory_space<hbm>> -> memref<1x64x128xf32, #tpu.memory_space<hbm>>
    %dma_start3A_524 = tpu.memref_squeeze %dma_start3A_523 : memref<1x64x128xf32, #tpu.memory_space<hbm>> -> memref<64x128xf32, #tpu.memory_space<hbm>>
    %dma_start3A_525 = arith.constant 0 : i32
    %dma_start3A_526 = tpu.memref_slice %arg7[%dma_start3A_517, %mul3A_2, %dma_start3A_525] : memref<4x2048x128xf32, #tpu.memory_space<hbm>> -> memref<1x64x128xf32, #tpu.memory_space<hbm>>
    %dma_start3A_527 = tpu.memref_squeeze %dma_start3A_526 : memref<1x64x128xf32, #tpu.memory_space<hbm>> -> memref<64x128xf32, #tpu.memory_space<hbm>>
    %dma_start3A_528 = arith.constant 0 : i32
    %dma_start3A_529 = arith.constant 0 : i32
    %dma_start3A_530 = tpu.memref_slice %arg12[%dma_start3A_516, %dma_start3A_528, %dma_start3A_529] : memref<4x64x128xf32, #tpu.memory_space<vmem>> -> memref<1x64x128xf32, #tpu.memory_space<vmem>>
    %dma_start3A_531 = tpu.memref_squeeze %dma_start3A_530 : memref<1x64x128xf32, #tpu.memory_space<vmem>> -> memref<64x128xf32, #tpu.memory_space<vmem>>
    tpu.enqueue_dma source(%dma_start3A_531 : memref<64x128xf32, #tpu.memory_space<vmem>>) target(%dma_start3A_527 : memref<64x128xf32, #tpu.memory_space<hbm>>) target_semaphore(%arg23 : memref<!tpu.dma_semaphore, #tpu.memory_space<semaphore_mem>>)
    %dma_wait3A_532 = arith.constant 0 : i32
    %dma_wait3A_533 = arith.constant 0 : i32
    %dma_wait3A_534 = arith.constant 0 : i32
    %dma_wait3A_535 = arith.constant 0 : i32
    %dma_wait3A_536 = tpu.memref_slice %arg11[%dma_wait3A_532, %dma_wait3A_534, %dma_wait3A_535] : memref<4x64x128xf32, #tpu.memory_space<vmem>> -> memref<1x64x128xf32, #tpu.memory_space<vmem>>
    %dma_wait3A_537 = tpu.memref_squeeze %dma_wait3A_536 : memref<1x64x128xf32, #tpu.memory_space<vmem>> -> memref<64x128xf32, #tpu.memory_space<vmem>>
    %dma_wait3A_538 = arith.constant 0 : i32
    %dma_wait3A_539 = tpu.memref_slice %arg6[%dma_wait3A_533, %mul3A_2, %dma_wait3A_538] : memref<4x2048x128xf32, #tpu.memory_space<hbm>> -> memref<1x64x128xf32, #tpu.memory_space<hbm>>
    %dma_wait3A_540 = tpu.memref_squeeze %dma_wait3A_539 : memref<1x64x128xf32, #tpu.memory_space<hbm>> -> memref<64x128xf32, #tpu.memory_space<hbm>>
    %dma_wait3A_541 = arith.constant 0 : i32
    %dma_wait3A_542 = tpu.memref_slice %arg6[%dma_wait3A_533, %mul3A_2, %dma_wait3A_541] : memref<4x2048x128xf32, #tpu.memory_space<hbm>> -> memref<1x64x128xf32, #tpu.memory_space<hbm>>
    %dma_wait3A_543 = tpu.memref_squeeze %dma_wait3A_542 : memref<1x64x128xf32, #tpu.memory_space<hbm>> -> memref<64x128xf32, #tpu.memory_space<hbm>>
    %dma_wait3A_544 = arith.constant 0 : i32
    %dma_wait3A_545 = arith.constant 0 : i32
    %dma_wait3A_546 = tpu.memref_slice %arg11[%dma_wait3A_532, %dma_wait3A_544, %dma_wait3A_545] : memref<4x64x128xf32, #tpu.memory_space<vmem>> -> memref<1x64x128xf32, #tpu.memory_space<vmem>>
    %dma_wait3A_547 = tpu.memref_squeeze %dma_wait3A_546 : memref<1x64x128xf32, #tpu.memory_space<vmem>> -> memref<64x128xf32, #tpu.memory_space<vmem>>
    tpu.wait_dma2 semaphore(%arg16 : memref<!tpu.dma_semaphore, #tpu.memory_space<semaphore_mem>>) src(%dma_wait3A_547 : memref<64x128xf32, #tpu.memory_space<vmem>>) dst(%dma_wait3A_543 : memref<64x128xf32, #tpu.memory_space<hbm>>)
    %dma_wait3A_548 = arith.constant 0 : i32
    %dma_wait3A_549 = arith.constant 0 : i32
    %dma_wait3A_550 = arith.constant 0 : i32
    %dma_wait3A_551 = arith.constant 0 : i32
    %dma_wait3A_552 = tpu.memref_slice %arg12[%dma_wait3A_548, %dma_wait3A_550, %dma_wait3A_551] : memref<4x64x128xf32, #tpu.memory_space<vmem>> -> memref<1x64x128xf32, #tpu.memory_space<vmem>>
    %dma_wait3A_553 = tpu.memref_squeeze %dma_wait3A_552 : memref<1x64x128xf32, #tpu.memory_space<vmem>> -> memref<64x128xf32, #tpu.memory_space<vmem>>
    %dma_wait3A_554 = arith.constant 0 : i32
    %dma_wait3A_555 = tpu.memref_slice %arg7[%dma_wait3A_549, %mul3A_2, %dma_wait3A_554] : memref<4x2048x128xf32, #tpu.memory_space<hbm>> -> memref<1x64x128xf32, #tpu.memory_space<hbm>>
    %dma_wait3A_556 = tpu.memref_squeeze %dma_wait3A_555 : memref<1x64x128xf32, #tpu.memory_space<hbm>> -> memref<64x128xf32, #tpu.memory_space<hbm>>
    %dma_wait3A_557 = arith.constant 0 : i32
    %dma_wait3A_558 = tpu.memref_slice %arg7[%dma_wait3A_549, %mul3A_2, %dma_wait3A_557] : memref<4x2048x128xf32, #tpu.memory_space<hbm>> -> memref<1x64x128xf32, #tpu.memory_space<hbm>>
    %dma_wait3A_559 = tpu.memref_squeeze %dma_wait3A_558 : memref<1x64x128xf32, #tpu.memory_space<hbm>> -> memref<64x128xf32, #tpu.memory_space<hbm>>
    %dma_wait3A_560 = arith.constant 0 : i32
    %dma_wait3A_561 = arith.constant 0 : i32
    %dma_wait3A_562 = tpu.memref_slice %arg12[%dma_wait3A_548, %dma_wait3A_560, %dma_wait3A_561] : memref<4x64x128xf32, #tpu.memory_space<vmem>> -> memref<1x64x128xf32, #tpu.memory_space<vmem>>
    %dma_wait3A_563 = tpu.memref_squeeze %dma_wait3A_562 : memref<1x64x128xf32, #tpu.memory_space<vmem>> -> memref<64x128xf32, #tpu.memory_space<vmem>>
    tpu.wait_dma2 semaphore(%arg17 : memref<!tpu.dma_semaphore, #tpu.memory_space<semaphore_mem>>) src(%dma_wait3A_563 : memref<64x128xf32, #tpu.memory_space<vmem>>) dst(%dma_wait3A_559 : memref<64x128xf32, #tpu.memory_space<hbm>>)
    %dma_wait3A_564 = arith.constant 1 : i32
    %dma_wait3A_565 = arith.constant 1 : i32
    %dma_wait3A_566 = arith.constant 0 : i32
    %dma_wait3A_567 = arith.constant 0 : i32
    %dma_wait3A_568 = tpu.memref_slice %arg11[%dma_wait3A_564, %dma_wait3A_566, %dma_wait3A_567] : memref<4x64x128xf32, #tpu.memory_space<vmem>> -> memref<1x64x128xf32, #tpu.memory_space<vmem>>
    %dma_wait3A_569 = tpu.memref_squeeze %dma_wait3A_568 : memref<1x64x128xf32, #tpu.memory_space<vmem>> -> memref<64x128xf32, #tpu.memory_space<vmem>>
    %dma_wait3A_570 = arith.constant 0 : i32
    %dma_wait3A_571 = tpu.memref_slice %arg6[%dma_wait3A_565, %mul3A_2, %dma_wait3A_570] : memref<4x2048x128xf32, #tpu.memory_space<hbm>> -> memref<1x64x128xf32, #tpu.memory_space<hbm>>
    %dma_wait3A_572 = tpu.memref_squeeze %dma_wait3A_571 : memref<1x64x128xf32, #tpu.memory_space<hbm>> -> memref<64x128xf32, #tpu.memory_space<hbm>>
    %dma_wait3A_573 = arith.constant 0 : i32
    %dma_wait3A_574 = tpu.memref_slice %arg6[%dma_wait3A_565, %mul3A_2, %dma_wait3A_573] : memref<4x2048x128xf32, #tpu.memory_space<hbm>> -> memref<1x64x128xf32, #tpu.memory_space<hbm>>
    %dma_wait3A_575 = tpu.memref_squeeze %dma_wait3A_574 : memref<1x64x128xf32, #tpu.memory_space<hbm>> -> memref<64x128xf32, #tpu.memory_space<hbm>>
    %dma_wait3A_576 = arith.constant 0 : i32
    %dma_wait3A_577 = arith.constant 0 : i32
    %dma_wait3A_578 = tpu.memref_slice %arg11[%dma_wait3A_564, %dma_wait3A_576, %dma_wait3A_577] : memref<4x64x128xf32, #tpu.memory_space<vmem>> -> memref<1x64x128xf32, #tpu.memory_space<vmem>>
    %dma_wait3A_579 = tpu.memref_squeeze %dma_wait3A_578 : memref<1x64x128xf32, #tpu.memory_space<vmem>> -> memref<64x128xf32, #tpu.memory_space<vmem>>
    tpu.wait_dma2 semaphore(%arg18 : memref<!tpu.dma_semaphore, #tpu.memory_space<semaphore_mem>>) src(%dma_wait3A_579 : memref<64x128xf32, #tpu.memory_space<vmem>>) dst(%dma_wait3A_575 : memref<64x128xf32, #tpu.memory_space<hbm>>)
    %dma_wait3A_580 = arith.constant 1 : i32
    %dma_wait3A_581 = arith.constant 1 : i32
    %dma_wait3A_582 = arith.constant 0 : i32
    %dma_wait3A_583 = arith.constant 0 : i32
    %dma_wait3A_584 = tpu.memref_slice %arg12[%dma_wait3A_580, %dma_wait3A_582, %dma_wait3A_583] : memref<4x64x128xf32, #tpu.memory_space<vmem>> -> memref<1x64x128xf32, #tpu.memory_space<vmem>>
    %dma_wait3A_585 = tpu.memref_squeeze %dma_wait3A_584 : memref<1x64x128xf32, #tpu.memory_space<vmem>> -> memref<64x128xf32, #tpu.memory_space<vmem>>
    %dma_wait3A_586 = arith.constant 0 : i32
    %dma_wait3A_587 = tpu.memref_slice %arg7[%dma_wait3A_581, %mul3A_2, %dma_wait3A_586] : memref<4x2048x128xf32, #tpu.memory_space<hbm>> -> memref<1x64x128xf32, #tpu.memory_space<hbm>>
    %dma_wait3A_588 = tpu.memref_squeeze %dma_wait3A_587 : memref<1x64x128xf32, #tpu.memory_space<hbm>> -> memref<64x128xf32, #tpu.memory_space<hbm>>
    %dma_wait3A_589 = arith.constant 0 : i32
    %dma_wait3A_590 = tpu.memref_slice %arg7[%dma_wait3A_581, %mul3A_2, %dma_wait3A_589] : memref<4x2048x128xf32, #tpu.memory_space<hbm>> -> memref<1x64x128xf32, #tpu.memory_space<hbm>>
    %dma_wait3A_591 = tpu.memref_squeeze %dma_wait3A_590 : memref<1x64x128xf32, #tpu.memory_space<hbm>> -> memref<64x128xf32, #tpu.memory_space<hbm>>
    %dma_wait3A_592 = arith.constant 0 : i32
    %dma_wait3A_593 = arith.constant 0 : i32
    %dma_wait3A_594 = tpu.memref_slice %arg12[%dma_wait3A_580, %dma_wait3A_592, %dma_wait3A_593] : memref<4x64x128xf32, #tpu.memory_space<vmem>> -> memref<1x64x128xf32, #tpu.memory_space<vmem>>
    %dma_wait3A_595 = tpu.memref_squeeze %dma_wait3A_594 : memref<1x64x128xf32, #tpu.memory_space<vmem>> -> memref<64x128xf32, #tpu.memory_space<vmem>>
    tpu.wait_dma2 semaphore(%arg19 : memref<!tpu.dma_semaphore, #tpu.memory_space<semaphore_mem>>) src(%dma_wait3A_595 : memref<64x128xf32, #tpu.memory_space<vmem>>) dst(%dma_wait3A_591 : memref<64x128xf32, #tpu.memory_space<hbm>>)
    %dma_wait3A_596 = arith.constant 2 : i32
    %dma_wait3A_597 = arith.constant 2 : i32
    %dma_wait3A_598 = arith.constant 0 : i32
    %dma_wait3A_599 = arith.constant 0 : i32
    %dma_wait3A_600 = tpu.memref_slice %arg11[%dma_wait3A_596, %dma_wait3A_598, %dma_wait3A_599] : memref<4x64x128xf32, #tpu.memory_space<vmem>> -> memref<1x64x128xf32, #tpu.memory_space<vmem>>
    %dma_wait3A_601 = tpu.memref_squeeze %dma_wait3A_600 : memref<1x64x128xf32, #tpu.memory_space<vmem>> -> memref<64x128xf32, #tpu.memory_space<vmem>>
    %dma_wait3A_602 = arith.constant 0 : i32
    %dma_wait3A_603 = tpu.memref_slice %arg6[%dma_wait3A_597, %mul3A_2, %dma_wait3A_602] : memref<4x2048x128xf32, #tpu.memory_space<hbm>> -> memref<1x64x128xf32, #tpu.memory_space<hbm>>
    %dma_wait3A_604 = tpu.memref_squeeze %dma_wait3A_603 : memref<1x64x128xf32, #tpu.memory_space<hbm>> -> memref<64x128xf32, #tpu.memory_space<hbm>>
    %dma_wait3A_605 = arith.constant 0 : i32
    %dma_wait3A_606 = tpu.memref_slice %arg6[%dma_wait3A_597, %mul3A_2, %dma_wait3A_605] : memref<4x2048x128xf32, #tpu.memory_space<hbm>> -> memref<1x64x128xf32, #tpu.memory_space<hbm>>
    %dma_wait3A_607 = tpu.memref_squeeze %dma_wait3A_606 : memref<1x64x128xf32, #tpu.memory_space<hbm>> -> memref<64x128xf32, #tpu.memory_space<hbm>>
    %dma_wait3A_608 = arith.constant 0 : i32
    %dma_wait3A_609 = arith.constant 0 : i32
    %dma_wait3A_610 = tpu.memref_slice %arg11[%dma_wait3A_596, %dma_wait3A_608, %dma_wait3A_609] : memref<4x64x128xf32, #tpu.memory_space<vmem>> -> memref<1x64x128xf32, #tpu.memory_space<vmem>>
    %dma_wait3A_611 = tpu.memref_squeeze %dma_wait3A_610 : memref<1x64x128xf32, #tpu.memory_space<vmem>> -> memref<64x128xf32, #tpu.memory_space<vmem>>
    tpu.wait_dma2 semaphore(%arg20 : memref<!tpu.dma_semaphore, #tpu.memory_space<semaphore_mem>>) src(%dma_wait3A_611 : memref<64x128xf32, #tpu.memory_space<vmem>>) dst(%dma_wait3A_607 : memref<64x128xf32, #tpu.memory_space<hbm>>)
    %dma_wait3A_612 = arith.constant 2 : i32
    %dma_wait3A_613 = arith.constant 2 : i32
    %dma_wait3A_614 = arith.constant 0 : i32
    %dma_wait3A_615 = arith.constant 0 : i32
    %dma_wait3A_616 = tpu.memref_slice %arg12[%dma_wait3A_612, %dma_wait3A_614, %dma_wait3A_615] : memref<4x64x128xf32, #tpu.memory_space<vmem>> -> memref<1x64x128xf32, #tpu.memory_space<vmem>>
    %dma_wait3A_617 = tpu.memref_squeeze %dma_wait3A_616 : memref<1x64x128xf32, #tpu.memory_space<vmem>> -> memref<64x128xf32, #tpu.memory_space<vmem>>
    %dma_wait3A_618 = arith.constant 0 : i32
    %dma_wait3A_619 = tpu.memref_slice %arg7[%dma_wait3A_613, %mul3A_2, %dma_wait3A_618] : memref<4x2048x128xf32, #tpu.memory_space<hbm>> -> memref<1x64x128xf32, #tpu.memory_space<hbm>>
    %dma_wait3A_620 = tpu.memref_squeeze %dma_wait3A_619 : memref<1x64x128xf32, #tpu.memory_space<hbm>> -> memref<64x128xf32, #tpu.memory_space<hbm>>
    %dma_wait3A_621 = arith.constant 0 : i32
    %dma_wait3A_622 = tpu.memref_slice %arg7[%dma_wait3A_613, %mul3A_2, %dma_wait3A_621] : memref<4x2048x128xf32, #tpu.memory_space<hbm>> -> memref<1x64x128xf32, #tpu.memory_space<hbm>>
    %dma_wait3A_623 = tpu.memref_squeeze %dma_wait3A_622 : memref<1x64x128xf32, #tpu.memory_space<hbm>> -> memref<64x128xf32, #tpu.memory_space<hbm>>
    %dma_wait3A_624 = arith.constant 0 : i32
    %dma_wait3A_625 = arith.constant 0 : i32
    %dma_wait3A_626 = tpu.memref_slice %arg12[%dma_wait3A_612, %dma_wait3A_624, %dma_wait3A_625] : memref<4x64x128xf32, #tpu.memory_space<vmem>> -> memref<1x64x128xf32, #tpu.memory_space<vmem>>
    %dma_wait3A_627 = tpu.memref_squeeze %dma_wait3A_626 : memref<1x64x128xf32, #tpu.memory_space<vmem>> -> memref<64x128xf32, #tpu.memory_space<vmem>>
    tpu.wait_dma2 semaphore(%arg21 : memref<!tpu.dma_semaphore, #tpu.memory_space<semaphore_mem>>) src(%dma_wait3A_627 : memref<64x128xf32, #tpu.memory_space<vmem>>) dst(%dma_wait3A_623 : memref<64x128xf32, #tpu.memory_space<hbm>>)
    %dma_wait3A_628 = arith.constant 3 : i32
    %dma_wait3A_629 = arith.constant 3 : i32
    %dma_wait3A_630 = arith.constant 0 : i32
    %dma_wait3A_631 = arith.constant 0 : i32
    %dma_wait3A_632 = tpu.memref_slice %arg11[%dma_wait3A_628, %dma_wait3A_630, %dma_wait3A_631] : memref<4x64x128xf32, #tpu.memory_space<vmem>> -> memref<1x64x128xf32, #tpu.memory_space<vmem>>
    %dma_wait3A_633 = tpu.memref_squeeze %dma_wait3A_632 : memref<1x64x128xf32, #tpu.memory_space<vmem>> -> memref<64x128xf32, #tpu.memory_space<vmem>>
    %dma_wait3A_634 = arith.constant 0 : i32
    %dma_wait3A_635 = tpu.memref_slice %arg6[%dma_wait3A_629, %mul3A_2, %dma_wait3A_634] : memref<4x2048x128xf32, #tpu.memory_space<hbm>> -> memref<1x64x128xf32, #tpu.memory_space<hbm>>
    %dma_wait3A_636 = tpu.memref_squeeze %dma_wait3A_635 : memref<1x64x128xf32, #tpu.memory_space<hbm>> -> memref<64x128xf32, #tpu.memory_space<hbm>>
    %dma_wait3A_637 = arith.constant 0 : i32
    %dma_wait3A_638 = tpu.memref_slice %arg6[%dma_wait3A_629, %mul3A_2, %dma_wait3A_637] : memref<4x2048x128xf32, #tpu.memory_space<hbm>> -> memref<1x64x128xf32, #tpu.memory_space<hbm>>
    %dma_wait3A_639 = tpu.memref_squeeze %dma_wait3A_638 : memref<1x64x128xf32, #tpu.memory_space<hbm>> -> memref<64x128xf32, #tpu.memory_space<hbm>>
    %dma_wait3A_640 = arith.constant 0 : i32
    %dma_wait3A_641 = arith.constant 0 : i32
    %dma_wait3A_642 = tpu.memref_slice %arg11[%dma_wait3A_628, %dma_wait3A_640, %dma_wait3A_641] : memref<4x64x128xf32, #tpu.memory_space<vmem>> -> memref<1x64x128xf32, #tpu.memory_space<vmem>>
    %dma_wait3A_643 = tpu.memref_squeeze %dma_wait3A_642 : memref<1x64x128xf32, #tpu.memory_space<vmem>> -> memref<64x128xf32, #tpu.memory_space<vmem>>
    tpu.wait_dma2 semaphore(%arg22 : memref<!tpu.dma_semaphore, #tpu.memory_space<semaphore_mem>>) src(%dma_wait3A_643 : memref<64x128xf32, #tpu.memory_space<vmem>>) dst(%dma_wait3A_639 : memref<64x128xf32, #tpu.memory_space<hbm>>)
    %dma_wait3A_644 = arith.constant 3 : i32
    %dma_wait3A_645 = arith.constant 3 : i32
    %dma_wait3A_646 = arith.constant 0 : i32
    %dma_wait3A_647 = arith.constant 0 : i32
    %dma_wait3A_648 = tpu.memref_slice %arg12[%dma_wait3A_644, %dma_wait3A_646, %dma_wait3A_647] : memref<4x64x128xf32, #tpu.memory_space<vmem>> -> memref<1x64x128xf32, #tpu.memory_space<vmem>>
    %dma_wait3A_649 = tpu.memref_squeeze %dma_wait3A_648 : memref<1x64x128xf32, #tpu.memory_space<vmem>> -> memref<64x128xf32, #tpu.memory_space<vmem>>
    %dma_wait3A_650 = arith.constant 0 : i32
    %dma_wait3A_651 = tpu.memref_slice %arg7[%dma_wait3A_645, %mul3A_2, %dma_wait3A_650] : memref<4x2048x128xf32, #tpu.memory_space<hbm>> -> memref<1x64x128xf32, #tpu.memory_space<hbm>>
    %dma_wait3A_652 = tpu.memref_squeeze %dma_wait3A_651 : memref<1x64x128xf32, #tpu.memory_space<hbm>> -> memref<64x128xf32, #tpu.memory_space<hbm>>
    %dma_wait3A_653 = arith.constant 0 : i32
    %dma_wait3A_654 = tpu.memref_slice %arg7[%dma_wait3A_645, %mul3A_2, %dma_wait3A_653] : memref<4x2048x128xf32, #tpu.memory_space<hbm>> -> memref<1x64x128xf32, #tpu.memory_space<hbm>>
    %dma_wait3A_655 = tpu.memref_squeeze %dma_wait3A_654 : memref<1x64x128xf32, #tpu.memory_space<hbm>> -> memref<64x128xf32, #tpu.memory_space<hbm>>
    %dma_wait3A_656 = arith.constant 0 : i32
    %dma_wait3A_657 = arith.constant 0 : i32
    %dma_wait3A_658 = tpu.memref_slice %arg12[%dma_wait3A_644, %dma_wait3A_656, %dma_wait3A_657] : memref<4x64x128xf32, #tpu.memory_space<vmem>> -> memref<1x64x128xf32, #tpu.memory_space<vmem>>
    %dma_wait3A_659 = tpu.memref_squeeze %dma_wait3A_658 : memref<1x64x128xf32, #tpu.memory_space<vmem>> -> memref<64x128xf32, #tpu.memory_space<vmem>>
    tpu.wait_dma2 semaphore(%arg23 : memref<!tpu.dma_semaphore, #tpu.memory_space<semaphore_mem>>) src(%dma_wait3A_659 : memref<64x128xf32, #tpu.memory_space<vmem>>) dst(%dma_wait3A_655 : memref<64x128xf32, #tpu.memory_space<hbm>>)
    return
  }
}

</mosaic_0001>

<sc_bundles>
// kernel: kernel.3.cloned.1.call-start
scs
__scs_entry_jumppad:
0x0: {  	(pc) =	sbr.rel $0x88, $3  }
0x1: {  	(tag) =	ssettag $0x0;
	lr =	simm.s32 $0x1  }
0x2: {  	[smem:$0x3F9E] =	sst lr;
	_ =	strace $0xD0000000  }
0x3: {  	_ = 	snop  }
0x4: {  	_ = 	snop  }
0x5: {  	_ = 	snop  }
0x6: {  	_ = 	snop  }
0x7: {  	_ = 	snop  }
__scs_overlays_trampoline_lowered:
0x8: {  	[smem:$0x3FAD] =	sst s0  }
0x9: {  	[smem:$0x3FAE] =	sst s1  }
0xa: {  	[smem:$0x3FAF] =	sst s2  }
0xb: {  	[smem:$0x3FB0] =	sst s3  }
0xc: {  	[smem:$0x3FB1] =	sst s4  }
0xd: {  	[smem:$0x3FB2] =	sst s5  }
0xe: {  	[smem:$0x3FB3] =	sst s6  }
0xf: {  	[smem:$0x3FB4] =	sst s7  }
0x10: {  	[smem:$0x3FB5] =	sst s8  }
0x11: {  	[smem:$0x3FB6] =	sst s9;
	s0 =	simm.s32 @!p0 $0x0  }
0x12: {  	s1 =	sld [smem:$0x3F9C];
	s0 =	simm.s32 @p0 $0x1  }
0x13: {  	[smem:$0x3FB7] =	sst s0;
	s0 =	simm.s32 @!p1 $0x0  }
0x14: {  	s2 =	sld [smem:$0x3F9B];
	s0 =	simm.s32 @p1 $0x1  }
0x15: {  	[smem:$0x3FB8] =	sst s0;
	s0 =	simm.s32 @!p2 $0x0  }
0x16: {  	s3 =	sld [smem:$0x3FDB];
	s0 =	simm.s32 @p2 $0x1  }
0x17: {  	s4 =	simm.s32 $0x1BF5;
	[smem:$0x3FBA] =	sst s0  }
0x18: {  	s0 =	sld [smem:$0x3F9D];
	_ =	swait.ge [sflag:s4], $0x0  }
0x19: {  	s7 =	sld [smem:$0x3F9E]  }
0x1a: {  	s8 =	sadd.s32 $0xFFFFE003, lr  }
0x1b: {  	s9 =	sadd.s32 $0xFFFFFEF7, lr;
	s5 =	simm.s32 $0xFFFFFFFF;
	p2 =	slt.u32 s8, $0xFFFFF086  }
0x1c: {  	p1 =	slt.u32 s9, $0xF7A;
	s5 =	simm.s32 @!p2 $0x0  }
0x1d: {  	s5 =	simm.s32 @p1 $0x1;
	p0 =	seq.s32 s7, s2  }
0x1e: {  	s7 =	smul.u32 @!p0 $0xF7A, s2;
	p2 =	seq.s32 @!p0 s5, $0x0  }
0x1f: {  	s9 =	smul.u32 $0xF7A, s1;
	s8 =	simm.s32 @!p0 $0x1BF5;
	p2 =	por !p2, p0  }
0x20: {  	[sflag:s8] =	ssyncset.s32 @!p0 $0xFFFFF086;
	s6 =	sadd.s32 @!p0 s3, s7;
	s7 =	simm.s32 @!p0 $0x108  }
0x21: {  	s3 =	sadd.s32 s3, s9;
	s6 =	sadd.s32 @!p0 $0x88, s6;
	s7 =	simm.s32 @p2 $0x1082  }
0x22: {  	[simem:s7], [sflag:s8] =	dma.local @!p0 [hbm:s6], $0xF7A  }
0x23: {  	s9 =	sor.u32 $0xD0000000, s2;
	s6 =	simm.s32 $0x108;
	_ =	swait.ge @!p0 [sflag:s8], $0x0  }
0x24: {  	s3 =	sadd.s32 $0x88, s3;
	s6 =	simm.s32 @!p1 $0x1082;
	[sflag:s4] =	ssyncset.s32 $0xFFFFF086  }
0x25: {  	[simem:s6], [sflag:s4] =	dma.local [hbm:s3], $0xF7A  }
0x26: {  	[smem:$0x3F9E] =	sst s1;
	(tag) =	ssettag s2;
	_ =	strace s9  }
0x27: {  	s1 =	sld [smem:$0x3FAE]  }
0x28: {  	s2 =	sld [smem:$0x3FAF]  }
0x29: {  	s4 =	sld [smem:$0x3FB1]  }
0x2a: {  	p0 =	seq.s32 s5, $0x0;
	s5 =	sld [smem:$0x3FB2]  }
0x2b: {  	s6 =	sld [smem:$0x3FB3]  }
0x2c: {  	s7 =	sld [smem:$0x3FB4]  }
0x2d: {  	s3 =	simm.s32 $0x108;
	s8 =	sld [smem:$0x3FB5]  }
0x2e: {  	s3 =	simm.s32 @!p0 $0x1082;
	s9 =	sld [smem:$0x3FB6]  }
0x2f: {  	lr =	sadd.s32 s0, s3;
	s0 =	sld [smem:$0x3FAD]  }
0x30: {  	s3 =	sld [smem:$0x3FB0]  }
0x31: {  	[smem:$0x3FB9] =	sst s10  }
0x32: {  	s10 =	sld [smem:$0x3FB7];
	_ =	sdelay $0x3  }
0x33: {  	p0 =	seq.s32 s10, $0x1;
	s10 =	sld [smem:$0x3FB9];
	_ =	sdelay $0x3  }
0x34: {  	[smem:$0x3FB9] =	sst s10  }
0x35: {  	s10 =	sld [smem:$0x3FB8];
	_ =	sdelay $0x3  }
0x36: {  	p1 =	seq.s32 s10, $0x1;
	s10 =	sld [smem:$0x3FB9];
	_ =	sdelay $0x3  }
0x37: {  	[smem:$0x3FB9] =	sst s10  }
0x38: {  	s10 =	sld [smem:$0x3FBA]  }
0x39: {  	_ = 	snop;
	(pc) =	sbr.ind lr, $3  }
0x3a: {  	_ = 	snop  }
0x3b: {  	_ = 	snop  }
0x3c: {  	p2 =	seq.s32 s10, $0x1;
	s10 =	sld [smem:$0x3FB9]  }
0x3d: {  	_ =	shalt  }
0x3e: {  	_ =	shalt  }
0x3f: {  	_ =	shalt  }
0x40: {  	_ =	shalt  }
0x41: {  	_ =	shalt  }
0x42: {  	_ =	shalt  }
0x43: {  	_ =	shalt  }
0x44: {  	_ =	shalt  }
0x45: {  	_ =	shalt  }
0x46: {  	_ =	shalt  }
0x47: {  	_ =	shalt  }
0x48: {  	_ =	shalt  }
0x49: {  	_ =	shalt  }
0x4a: {  	_ =	shalt  }
0x4b: {  	_ =	shalt  }
0x4c: {  	_ =	shalt  }
0x4d: {  	_ =	shalt  }
0x4e: {  	_ =	shalt  }
0x4f: {  	_ =	shalt  }
0x50: {  	_ =	shalt  }
0x51: {  	_ =	shalt  }
0x52: {  	_ =	shalt  }
0x53: {  	_ =	shalt  }
0x54: {  	_ =	shalt  }
0x55: {  	_ =	shalt  }
0x56: {  	_ =	shalt  }
0x57: {  	_ =	shalt  }
0x58: {  	_ =	shalt  }
0x59: {  	_ =	shalt  }
0x5a: {  	_ =	shalt  }
0x5b: {  	_ =	shalt  }
0x5c: {  	_ =	shalt  }
0x5d: {  	_ =	shalt  }
0x5e: {  	_ =	shalt  }
0x5f: {  	_ =	shalt  }
0x60: {  	_ =	shalt  }
0x61: {  	_ =	shalt  }
0x62: {  	_ =	shalt  }
0x63: {  	_ =	shalt  }
0x64: {  	_ =	shalt  }
0x65: {  	_ =	shalt  }
0x66: {  	_ =	shalt  }
0x67: {  	_ =	shalt  }
0x68: {  	_ =	shalt  }
0x69: {  	_ =	shalt  }
0x6a: {  	_ =	shalt  }
0x6b: {  	_ =	shalt  }
0x6c: {  	_ =	shalt  }
0x6d: {  	_ =	shalt  }
0x6e: {  	_ =	shalt  }
0x6f: {  	_ =	shalt  }
0x70: {  	_ =	shalt  }
0x71: {  	_ =	shalt  }
0x72: {  	_ =	shalt  }
0x73: {  	_ =	shalt  }
0x74: {  	_ =	shalt  }
0x75: {  	_ =	shalt  }
0x76: {  	_ =	shalt  }
0x77: {  	_ =	shalt  }
0x78: {  	_ =	shalt  }
0x79: {  	_ =	shalt  }
0x7a: {  	_ =	shalt  }
0x7b: {  	_ =	shalt  }
0x7c: {  	_ =	shalt  }
0x7d: {  	_ =	shalt  }
0x7e: {  	_ =	shalt  }
0x7f: {  	_ =	shalt  }
0x80: {  	_ =	shalt  }
0x81: {  	_ =	shalt  }
0x82: {  	_ =	shalt  }
0x83: {  	_ =	shalt  }
0x84: {  	_ =	shalt  }
0x85: {  	_ =	shalt  }
0x86: {  	_ =	shalt  }
0x87: {  	_ =	shalt  }
.Lfunc_end0:
.L_simem_size_0:
called_computation_lowered:
.L_overlay_start_0:
0x88: {  	s2 =	sld [smem:$0x3FD9]  }
0x89: {  	s3 =	sld [smem:$0x3FFE];
	_ =	sdelay $0x1  }
0x8a: {  	s1 =	srdreg.scid  }
0x8b: {  	s0 =	sand.u32 $0x1, s1  }
0x8c: {  	s14 =	sshll.u32 s0, $0xA;
	s2 =	sadd.s32 s3, s2  }
0x8d: {  	s2 =	sadd.s32 s2, s14  }
0x8e: {  	[smem:$0x3FC5] =	sst s2  }
0x8f: {  	_ = 	snop  }
0x90: {  	s2 =	sld [smem:$0x3FD0]  }
0x91: {  	s15 =	sld [smem:$0x3FC9]  }
0x92: {  	s4 =	sld [smem:$0x3FC8]  }
0x93: {  	s6 =	simm.s32 $0xA;
	s7 =	simm.s32 $0x10;
	s5 =	sld [smem:$0x3FC7]  }
0x94: {  	[smem:s7], [sflag:s6] =	dma.local [hbm:s2], $0x1  }
0x95: {  	_ =	swait.eq [sflag:s6], $0x1  }
0x96: {  	[sflag:s6] =	ssyncset.done $0x0  }
0x97: {  	s16 =	sld [smem:$0x10];
	[sflag:s6] =	ssyncadd.s32 $0xFFFFFFFF  }
0x98: {  	s17 =	sld [smem:$0x11];
	(tm) =	ssettm $0x1  }
0x99: {  	s18 =	sld [smem:$0x3FFB];
	_ =	sdelay $0x3  }
0x9a: {  	_ =	strace s18  }
0x9b: {  	s7 =	sld [smem:$0x3FFC];
	_ =	sdelay $0x3  }
0x9c: {  	_ =	strace s7  }
0x9d: {  	s7 =	sld [smem:$0x3FFD];
	_ =	sdelay $0x3  }
0x9e: {  	_ =	strace s7  }
0x9f: {  	_ =	strace $0x8FFFFFFF  }
0xa0: {  	s19 =	sld [smem:$0x3FDB];
	_ =	sdelay $0x1  }
0xa1: {  	s8 =	simm.s32 $_scs_section_size  }
0xa2: {  	s9 =	simm.s32 $_size__tile_overlayer_lowered;
	s10 =	simm.s32 $_tile_overlayer_lowered  }
0xa3: {  	s22 =	simm.s32 $0x1BFF;
	s21 =	sshll.u32 s10, $0x1;
	s7 =	sadd.s32 s8, s19  }
0xa4: {  	s11 =	simm.s32 $0x0;
	s20 =	sshll.u32 s9, $0x1;
	s9 =	sadd.s32 s21, s7  }
0xa5: {  	[timem:s11], [sflag:s22] =	dma.local [hbm:s9], s20  }
0xa6: {  	_ =	swait.ge [sflag:s22], s20  }
0xa7: {  	s8 =	ssub.s32 $0x0, s20;
	[sflag:s22] =	ssyncset.done $0x0  }
0xa8: {  	[sflag:s22] =	ssyncadd.s32 s8;
	_ =	sdelay $0x1  }
0xa9: {  	s23 =	simm.s32 $0x1B8B  }
0xaa: {  	_ =	swait.ge [sflag:s23], $0x1  }
0xab: {  	[sflag:s23] =	ssyncset.done $0x0  }
0xac: {  	s25 =	simm.s32 $0x1B8E;
	s24 =	sld [smem:$0x3FFE];
	[sflag:s23] =	ssyncadd.s32 $0xFFFFFFFF  }
0xad: {  	s26 =	simm.s32 $execute0_lowered;
	[smem:$0x3FD2] =	sst s25  }
0xae: {  	s9 =	sshll.u32 s26, $0x1;
	_ =	strace $0x80000046;
	[dreg:$0x1] =	wrdreg $0xFFFFFFFF  }
0xaf: {  	s28 =	simm.s32 $_size_execute0_lowered;
	s7 =	sadd.s32 s7, s9;
	[dreg:$0x0] =	wrdreg $0x0  }
0xb0: {  	s9 =	sshll.u32 s28, $0x1;
	[dreg:$0x2] =	wrdreg s7  }
0xb1: {  	[dreg:$0x3] =	wrdreg s9  }
0xb2: {  	[dreg:$0x4] =	wrdreg $0xC0  }
0xb3: {  	_ =	task [dreg:s11], $0x5FFFF  }
0xb4: {  	[dreg:$0x1] =	wrdreg $0xFFFFFFFF  }
0xb5: {  	[dreg:$0x0] =	wrdreg $0x60  }
0xb6: {  	[dreg:$0x2] =	wrdreg s5  }
0xb7: {  	[dreg:$0x3] =	wrdreg s15  }
0xb8: {  	[dreg:$0x4] =	wrdreg s4  }
0xb9: {  	[dreg:$0x5] =	wrdreg s24  }
0xba: {  	[dreg:$0x6] =	wrdreg s16  }
0xbb: {  	[dreg:$0x7] =	wrdreg s17  }
0xbc: {  	[dreg:$0x8] =	wrdreg $0x9  }
0xbd: {  	_ =	task.clear_ibuf [dreg:s11], $0x9FFFF;
	_ =	strace $0x90000046  }
0xbe: {  	s29 =	simm.s32 $0x9;
	_ =	strace $0x80000048  }
0xbf: {  	_ =	swait.ge [sflag:s29], $0x1  }
0xc0: {  	[sflag:s29] =	ssyncadd.s32 $0xFFFFFFFF  }
0xc1: {  	_ =	strace $0x90000048  }
0xc2: {  	_ =	sfence  }
0xc3: {  	s30 =	sld [smem:$0x0];
	_ =	sdelay $0x2  }
0xc4: {  	s31 =	sshll.u32 s1, $0xD;
	s1 =	sshrl.u32 s1, $0x2  }
0xc5: {  	s3 =	sand.u32 $0x4000, s31;
	s1 =	sadd.s32 s1, s30  }
0xc6: {  	s0 =	sor.u32 s3, s0;
	s1 =	sshll.u32 s1, $0x11  }
0xc7: {  	s0 =	sor.u32 s1, s0  }
0xc8: {  	s0 =	sadd.s32 $0x8F2B, s0  }
0xc9: {  	[sflag:s0] =	ssyncadd.remote.s32 $0x1  }
0xca: {  	_ =	sfence.sel $0xFFFF  }
0xcb: {  	[dreg:$0x0] =	wrdreg $0xFFFFFFFF;
	(pc) =	sbr.abs _section_cstart, $3  }
0xcc: {  	[dreg:$0x1] =	wrdreg $0xFFFFFFFF  }
0xcd: {  	_ =	task.clear_ibuf [dreg:s11], $0x2FFFF;
	_ =	strace $0x9FFFFFFF  }
0xce: {  	(tm) =	ssettm $0x7FFFFFFF  }
0xcf: {  	_ =	shalt  }
tec
execute0_lowered:
.L_overlay_start_1:
0x0: {  	(tag) =	ssettag $0x1  }
0x1: {  	s0 =	rddreg [dreg:$0x0]  }
0x2: {  	s1 =	rddreg [dreg:$0x1]  }
0x3: {  	s2 =	rddreg [dreg:$0x2]  }
0x4: {  	s4 =	rddreg [dreg:$0x3]  }
0x5: {  	s5 =	rddreg [dreg:$0x4]  }
0x6: {  	s6 =	rddreg [dreg:$0x5];
	s3 =	srdreg.scid  }
0x7: {  	s8 =	stileid.u32;
	s31 =	simm.s32 $0x2;
	s28 =	simm.s32 $0x100  }
0x8: {  	s29 =	simm.s32 $0x180;
	s7 =	sand.u32 $0x1, s3;
	s3 =	simm.s32 $0x0  }
0x9: {  	s8 =	sshll.u32 s8, $0x7;
	s9 =	sshll.u32 s7, $0x6;
	[smem:$0x7FF] =	sst s3  }
0xa: {  	s7 =	ssub.s32 $0x2, s7;
	s8 =	sor.u32 s9, s8;
	_ =	strace $0x80000047  }
0xb: {  	s12 =	sshrl.u32 s7, $0x1;
	s10 =	sshll.u32 s8, $0x2;
	s8 =	sshll.u32 s8, $0x4  }
0xc: {  	s7 =	ssub.s32 s7, s12;
	s11 =	sand.u32 $0x1E00, s10;
	s4 =	sadd.s32 s8, s4  }
0xd: {  	s19 =	sadd.s32 s5, s8;
	s20 =	sor.u32 $0x8000, s8;
	s21 =	sadd.s32 s6, s8  }
0xe: {  	s23 =	sor.u32 $0x10000, s8;
	s25 =	sor.u32 $0x18000, s8;
	s8 =	simm.s32 $0xE400  }
0xf: {  	s11 =	sor.u32 s9, s11;
	s9 =	sor.u32 s9, s10;
	[dreg:$0x10] =	wrdreg s19  }
0x10: {  	s18 =	sadd.s32 $0x600, s4;
	[dreg:$0x11] =	wrdreg s21;
	s22 =	sadd.s32 s5, s20  }
0x11: {  	s24 =	sadd.s32 s5, s23;
	s26 =	sadd.s32 s5, s25;
	[dreg:$0xf] =	wrdreg s18  }
0x12: {  	s4 =	simm.s32 $0xA400;
	s5 =	simm.s32 $0x4400;
	[dreg:$0x12] =	wrdreg s22  }
0x13: {  	s19 =	simm.s32 $0x280;
	s21 =	simm.s32 $0x380;
	[dreg:$0x14] =	wrdreg s24  }
0x14: {  	s11 =	sshrl.u32 s11, $0x3;
	s9 =	sshrl.u32 s9, $0x3;
	[dreg:$0x16] =	wrdreg s26  }
0x15: {  	s22 =	simm.s32 $0x8;
	s24 =	simm.s32 $0x0;
	s30 =	sadd.s32 s1, s11  }
0x16: {  	s12 =	sor.u32 $0x10, s11;
	s11 =	sadd.s32 s2, s11;
	[dreg:$0x7] =	wrdreg s30  }
0x17: {  	s26 =	simm.s32 $0x80;
	[dreg:$0x8] =	wrdreg s11;
	s13 =	sadd.s32 s1, s12  }
0x18: {  	s14 =	sor.u32 $0x20, s9;
	s10 =	sadd.s32 s2, s12;
	[dreg:$0x9] =	wrdreg s13  }
0x19: {  	s9 =	sor.u32 $0x30, s9;
	s15 =	sadd.s32 s1, s14;
	[dreg:$0xa] =	wrdreg s10  }
0x1a: {  	s16 =	sadd.s32 s2, s14;
	s1 =	sadd.s32 s1, s9;
	[dreg:$0xb] =	wrdreg s15  }
0x1b: {  	s17 =	sadd.s32 s2, s9;
	s2 =	sadd.s32 s6, s23;
	[dreg:$0xc] =	wrdreg s16  }
0x1c: {  	s30 =	smax.u32 s7, $0x1;
	s7 =	simm.s32 $0x6400;
	[dreg:$0xd] =	wrdreg s1  }
0x1d: {  	s9 =	simm.s32 $0x8400;
	s11 =	simm.s32 $0x1;
	[dreg:$0xe] =	wrdreg s17  }
0x1e: {  	s12 =	simm.s32 $0x4;
	s14 =	simm.s32 $0x6;
	[dreg:$0x15] =	wrdreg s2  }
0x1f: {  	s23 =	simm.s32 $0xA;
	s1 =	sadd.s32 s6, s20;
	[dreg:$0x18] =	wrdreg s30  }
0x20: {  	s2 =	simm.s32 $0x40;
	s10 =	simm.s32 $0x10400;
	s13 =	simm.s32 $0x5  }
0x21: {  	s15 =	simm.s32 $0x7;
	s16 =	simm.s32 $0x9;
	s17 =	simm.s32 $0xB  }
0x22: {  	s20 =	simm.s32 $0x300;
	[dreg:$0x13] =	wrdreg s1;
	s1 =	sadd.s32 s6, s25  }
0x23: {  	s6 =	simm.s32 $0xC400;
	[dreg:$0x17] =	wrdreg s1;
	s1 =	simm.s32 $0x3  }
.LBB2_1:
0x24: {  	s18 =	rddreg [dreg:$0x7]  }
0x25: {  	[tilespmem:s3], [sflag:$0x2] =	stream.linear.gather [hbm4b:s18+s3], $0x40, $0x38;
	[tilespmem:$0x12400] =	vst v63  }
0x26: {  	s25 =	simm.s32 $0x200;
	s18 =	rddreg [dreg:$0x8]  }
0x27: {  	[tilespmem:s25], [sflag:$0x3] =	stream.linear.gather [hbm4b:s18+s3], $0x40, $0x38;
	[tilespmem:$0x12400] =	vst v63  }
0x28: {  	s18 =	rddreg [dreg:$0x9]  }
0x29: {  	[tilespmem:s26], [sflag:$0x2] =	stream.linear.gather [hbm4b:s18+s3], $0x40, $0x38;
	[tilespmem:$0x12400] =	vst v63  }
0x2a: {  	s18 =	rddreg [dreg:$0xa]  }
0x2b: {  	[tilespmem:s19], [sflag:$0x3] =	stream.linear.gather [hbm4b:s18+s3], $0x40, $0x38;
	[tilespmem:$0x12400] =	vst v63  }
0x2c: {  	s18 =	rddreg [dreg:$0xb]  }
0x2d: {  	[tilespmem:s28], [sflag:$0x2] =	stream.linear.gather [hbm4b:s18+s3], $0x40, $0x38;
	[tilespmem:$0x12400] =	vst v63  }
0x2e: {  	s18 =	rddreg [dreg:$0xc]  }
0x2f: {  	[tilespmem:s20], [sflag:$0x3] =	stream.linear.gather [hbm4b:s18+s3], $0x40, $0x38;
	[tilespmem:$0x12400] =	vst v63  }
0x30: {  	s18 =	rddreg [dreg:$0xd]  }
0x31: {  	[tilespmem:s29], [sflag:$0x2] =	stream.linear.gather [hbm4b:s18+s3], $0x40, $0x38;
	[tilespmem:$0x12400] =	vst v63  }
0x32: {  	s18 =	rddreg [dreg:$0xe]  }
0x33: {  	[tilespmem:s21], [sflag:$0x3] =	stream.linear.gather [hbm4b:s18+s3], $0x40, $0x38;
	[tilespmem:$0x12400] =	vst v63  }
0x34: {  	s30 =	simm.s32 $0x400;
	s18 =	rddreg [dreg:$0xf]  }
0x35: {  	[tilespmem:s30], [sflag:$0x1] =	stream.linear.gather [hbm4b:s18+s3], $0x2000, $0x38;
	[tilespmem:$0x12400] =	vst v63  }
0x36: {  	_ =	swait.ge [sflag:s31], $0x40  }
0x37: {  	[sflag:s31] =	ssyncset.done $0x0  }
0x38: {  	[sflag:s31] =	ssyncadd.s32 $0xFFFFFFC0  }
0x39: {  	_ =	swait.ge [sflag:s1], $0x40  }
0x3a: {  	[sflag:s1] =	ssyncset.done $0x0  }
0x3b: {  	[sflag:s1] =	ssyncadd.s32 $0xFFFFFFC0  }
0x3c: {  	_ =	swait.ge [sflag:s31], $0x40  }
0x3d: {  	[sflag:s31] =	ssyncset.done $0x0  }
0x3e: {  	[sflag:s31] =	ssyncadd.s32 $0xFFFFFFC0  }
0x3f: {  	_ =	swait.ge [sflag:s1], $0x40  }
0x40: {  	[sflag:s1] =	ssyncset.done $0x0  }
0x41: {  	[sflag:s1] =	ssyncadd.s32 $0xFFFFFFC0  }
0x42: {  	_ =	swait.ge [sflag:s31], $0x40  }
0x43: {  	[sflag:s31] =	ssyncset.done $0x0  }
0x44: {  	[sflag:s31] =	ssyncadd.s32 $0xFFFFFFC0  }
0x45: {  	_ =	swait.ge [sflag:s1], $0x40  }
0x46: {  	[sflag:s1] =	ssyncset.done $0x0  }
0x47: {  	[sflag:s1] =	ssyncadd.s32 $0xFFFFFFC0  }
0x48: {  	_ =	swait.ge [sflag:s31], $0x40  }
0x49: {  	[sflag:s31] =	ssyncset.done $0x0  }
0x4a: {  	[sflag:s31] =	ssyncadd.s32 $0xFFFFFFC0  }
0x4b: {  	_ =	swait.ge [sflag:s1], $0x40  }
0x4c: {  	[sflag:s1] =	ssyncset.done $0x0  }
0x4d: {  	s30 =	simm.s32 $0x2400;
	[sflag:s1] =	ssyncadd.s32 $0xFFFFFFC0  }
0x4e: {  	[tilespmem:s30], [sflag:$0x4] =	stream.indirect.gather [hbm4b:s0+s2], $0x80, s3, s2, $0xb8;
	[tilespmem:$0x12400] =	vst v63  }
0x4f: {  	_ = 	snop  }
0x50: {  	[tilespmem:s4], [sflag:$0x5] =	stream.indirect.gather [hbm4b:s0+s2], $0x80, s25, s2, $0xb8;
	[tilespmem:$0x12400] =	vst v63  }
0x51: {  	_ = 	snop  }
0x52: {  	[tilespmem:s5], [sflag:$0x6] =	stream.indirect.gather [hbm4b:s0+s2], $0x80, s26, s2, $0xb8;
	[tilespmem:$0x12400] =	vst v63  }
0x53: {  	_ = 	snop  }
0x54: {  	[tilespmem:s6], [sflag:$0x7] =	stream.indirect.gather [hbm4b:s0+s2], $0x80, s19, s2, $0xb8;
	[tilespmem:$0x12400] =	vst v63  }
0x55: {  	_ = 	snop  }
0x56: {  	[tilespmem:s7], [sflag:$0x8] =	stream.indirect.gather [hbm4b:s0+s2], $0x80, s28, s2, $0xb8;
	[tilespmem:$0x12400] =	vst v63  }
0x57: {  	_ = 	snop  }
0x58: {  	[tilespmem:s8], [sflag:$0x9] =	stream.indirect.gather [hbm4b:s0+s2], $0x80, s20, s2, $0xb8;
	[tilespmem:$0x12400] =	vst v63  }
0x59: {  	_ = 	snop  }
0x5a: {  	[tilespmem:s9], [sflag:$0xA] =	stream.indirect.gather [hbm4b:s0+s2], $0x80, s29, s2, $0xb8;
	[tilespmem:$0x12400] =	vst v63  }
0x5b: {  	_ = 	snop  }
0x5c: {  	[tilespmem:s10], [sflag:$0xB] =	stream.indirect.gather [hbm4b:s0+s2], $0x80, s21, s2, $0xb8;
	[tilespmem:$0x12400] =	vst v63  }
0x5d: {  	_ =	swait.ge [sflag:s11], $0x2000  }
0x5e: {  	[sflag:s11] =	ssyncset.done $0x0  }
0x5f: {  	[sflag:s11] =	ssyncadd.s32 $0xFFFFE000  }
0x60: {  	_ =	swait.ge [sflag:s12], $0x2000  }
0x61: {  	[sflag:s12] =	ssyncset.done $0x0  }
0x62: {  	[sflag:s12] =	ssyncadd.s32 $0xFFFFE000  }
0x63: {  	_ =	swait.ge [sflag:s13], $0x2000  }
0x64: {  	[sflag:s13] =	ssyncset.done $0x0  }
0x65: {  	s18 =	simm.s32 $0x200;
	s25 =	simm.s32 $0x0;
	[sflag:s13] =	ssyncadd.s32 $0xFFFFE000  }
.LBB2_2:
0x66: {  	p0 =	sne.s32 s18, $0x7E00;
	v0 =	vld [tilespmem:s25+$0x470]  }
0x67: {  	v1 =	vld [tilespmem:s25+$0x400]  }
0x68: {  	v2 =	vld [tilespmem:s25+$0x410]  }
0x69: {  	v3 =	vld [tilespmem:s25+$0x420]  }
0x6a: {  	v4 =	vld [tilespmem:s25+$0x430]  }
0x6b: {  	[tilespmem:s25+$0xA470] =	vst.add.f32.msk $0xffff, v0  }
0x6c: {  	v5 =	vld [tilespmem:s25+$0x440]  }
0x6d: {  	v6 =	vld [tilespmem:s25+$0x450]  }
0x6e: {  	v7 =	vld [tilespmem:s25+$0x460]  }
0x6f: {  	[tilespmem:s25+$0x2400] =	vst.add.f32.msk $0xffff, v1  }
0x70: {  	[tilespmem:s25+$0xA400] =	vst.add.f32.msk $0xffff, v1  }
0x71: {  	[tilespmem:s25+$0x2410] =	vst.add.f32.msk $0xffff, v2  }
0x72: {  	[tilespmem:s25+$0xA410] =	vst.add.f32.msk $0xffff, v2  }
0x73: {  	[tilespmem:s25+$0x2420] =	vst.add.f32.msk $0xffff, v3  }
0x74: {  	[tilespmem:s25+$0xA420] =	vst.add.f32.msk $0xffff, v3  }
0x75: {  	[tilespmem:s25+$0x2430] =	vst.add.f32.msk $0xffff, v4  }
0x76: {  	[tilespmem:s25+$0xA430] =	vst.add.f32.msk $0xffff, v4  }
0x77: {  	[tilespmem:s25+$0x2440] =	vst.add.f32.msk $0xffff, v5  }
0x78: {  	[tilespmem:s25+$0xA440] =	vst.add.f32.msk $0xffff, v5  }
.Ltmp0:
0x79: {  	[tilespmem:s25+$0x2450] =	vst.add.f32.msk $0xffff, v6;
	(pc) =	sbr.rel @p0 .LBB2_2-.Ltmp0, $4  }
0x7a: {  	[tilespmem:s25+$0xA450] =	vst.add.f32.msk $0xffff, v6  }
0x7b: {  	[tilespmem:s25+$0x2460] =	vst.add.f32.msk $0xffff, v7  }
0x7c: {  	[tilespmem:s25+$0xA460] =	vst.add.f32.msk $0xffff, v7  }
0x7d: {  	[tilespmem:s25+$0x2470] =	vst.add.f32.msk $0xffff, v0;
	s25 =	sshra.s32 s18, $0x2;
	s18 =	sadd.s32 $0x200, s18  }
0x7e: {  	v0 =	vld [tilespmem:s25+$0x470]  }
0x7f: {  	v1 =	vld [tilespmem:s25+$0x400]  }
0x80: {  	v2 =	vld [tilespmem:s25+$0x410]  }
0x81: {  	v3 =	vld [tilespmem:s25+$0x420]  }
0x82: {  	v4 =	vld [tilespmem:s25+$0x430]  }
0x83: {  	v5 =	vld [tilespmem:s25+$0x440]  }
0x84: {  	v6 =	vld [tilespmem:s25+$0x450]  }
0x85: {  	v7 =	vld [tilespmem:s25+$0x460]  }
0x86: {  	[tilespmem:s25+$0xA470] =	vst.add.f32.msk $0xffff, v0  }
0x87: {  	[tilespmem:s25+$0x2400] =	vst.add.f32.msk $0xffff, v1  }
0x88: {  	[tilespmem:s25+$0xA400] =	vst.add.f32.msk $0xffff, v1  }
0x89: {  	[tilespmem:s25+$0x2410] =	vst.add.f32.msk $0xffff, v2  }
0x8a: {  	[tilespmem:s25+$0xA410] =	vst.add.f32.msk $0xffff, v2  }
0x8b: {  	[tilespmem:s25+$0x2420] =	vst.add.f32.msk $0xffff, v3  }
0x8c: {  	[tilespmem:s25+$0xA420] =	vst.add.f32.msk $0xffff, v3  }
0x8d: {  	[tilespmem:s25+$0x2430] =	vst.add.f32.msk $0xffff, v4  }
0x8e: {  	[tilespmem:s25+$0xA430] =	vst.add.f32.msk $0xffff, v4  }
0x8f: {  	[tilespmem:s25+$0x2440] =	vst.add.f32.msk $0xffff, v5  }
0x90: {  	[tilespmem:s25+$0xA440] =	vst.add.f32.msk $0xffff, v5  }
0x91: {  	[tilespmem:s25+$0x2450] =	vst.add.f32.msk $0xffff, v6  }
0x92: {  	[tilespmem:s25+$0xA450] =	vst.add.f32.msk $0xffff, v6  }
0x93: {  	[tilespmem:s25+$0x2460] =	vst.add.f32.msk $0xffff, v7  }
0x94: {  	[tilespmem:s25+$0xA460] =	vst.add.f32.msk $0xffff, v7  }
0x95: {  	[tilespmem:s25+$0x2470] =	vst.add.f32.msk $0xffff, v0  }
0x96: {  	s18 =	simm.s32 $0x0;
	s25 =	rddreg [dreg:$0x10]  }
0x97: {  	[hbm4b:s25+s18] =	stream.linear.scatter [tilespmem:s30], [sflag:$0x4], $0x2000, $0x38;
	[tilespmem:$0x12400] =	vst v63  }
0x98: {  	s30 =	rddreg [dreg:$0x11]  }
0x99: {  	[hbm4b:s30+s18] =	stream.linear.scatter [tilespmem:s4], [sflag:$0x5], $0x2000, $0x38;
	[tilespmem:$0x12400] =	vst v63  }
0x9a: {  	_ =	swait.ge [sflag:s14], $0x2000  }
0x9b: {  	[sflag:s14] =	ssyncset.done $0x0  }
0x9c: {  	[sflag:s14] =	ssyncadd.s32 $0xFFFFE000  }
0x9d: {  	_ =	swait.ge [sflag:s15], $0x2000  }
0x9e: {  	[sflag:s15] =	ssyncset.done $0x0  }
0x9f: {  	s25 =	simm.s32 $0x0;
	s18 =	simm.s32 $0x200;
	[sflag:s15] =	ssyncadd.s32 $0xFFFFE000  }
.LBB2_4:
0xa0: {  	p0 =	sne.s32 s18, $0x7E00;
	v0 =	vld [tilespmem:s25+$0x470]  }
0xa1: {  	v1 =	vld [tilespmem:s25+$0x400]  }
0xa2: {  	v2 =	vld [tilespmem:s25+$0x410]  }
0xa3: {  	v3 =	vld [tilespmem:s25+$0x420]  }
0xa4: {  	v4 =	vld [tilespmem:s25+$0x430]  }
0xa5: {  	[tilespmem:s25+$0xC470] =	vst.add.f32.msk $0xffff, v0  }
0xa6: {  	v5 =	vld [tilespmem:s25+$0x440]  }
0xa7: {  	v6 =	vld [tilespmem:s25+$0x450]  }
0xa8: {  	v7 =	vld [tilespmem:s25+$0x460]  }
0xa9: {  	[tilespmem:s25+$0x4400] =	vst.add.f32.msk $0xffff, v1  }
0xaa: {  	[tilespmem:s25+$0xC400] =	vst.add.f32.msk $0xffff, v1  }
0xab: {  	[tilespmem:s25+$0x4410] =	vst.add.f32.msk $0xffff, v2  }
0xac: {  	[tilespmem:s25+$0xC410] =	vst.add.f32.msk $0xffff, v2  }
0xad: {  	[tilespmem:s25+$0x4420] =	vst.add.f32.msk $0xffff, v3  }
0xae: {  	[tilespmem:s25+$0xC420] =	vst.add.f32.msk $0xffff, v3  }
0xaf: {  	[tilespmem:s25+$0x4430] =	vst.add.f32.msk $0xffff, v4  }
0xb0: {  	[tilespmem:s25+$0xC430] =	vst.add.f32.msk $0xffff, v4  }
0xb1: {  	[tilespmem:s25+$0x4440] =	vst.add.f32.msk $0xffff, v5  }
0xb2: {  	[tilespmem:s25+$0xC440] =	vst.add.f32.msk $0xffff, v5  }
.Ltmp1:
0xb3: {  	[tilespmem:s25+$0x4450] =	vst.add.f32.msk $0xffff, v6;
	(pc) =	sbr.rel @p0 .LBB2_4-.Ltmp1, $4  }
0xb4: {  	[tilespmem:s25+$0xC450] =	vst.add.f32.msk $0xffff, v6  }
0xb5: {  	[tilespmem:s25+$0x4460] =	vst.add.f32.msk $0xffff, v7  }
0xb6: {  	[tilespmem:s25+$0xC460] =	vst.add.f32.msk $0xffff, v7  }
0xb7: {  	[tilespmem:s25+$0x4470] =	vst.add.f32.msk $0xffff, v0;
	s25 =	sshra.s32 s18, $0x2;
	s18 =	sadd.s32 $0x200, s18  }
0xb8: {  	v0 =	vld [tilespmem:s25+$0x470]  }
0xb9: {  	v1 =	vld [tilespmem:s25+$0x400]  }
0xba: {  	v2 =	vld [tilespmem:s25+$0x410]  }
0xbb: {  	v3 =	vld [tilespmem:s25+$0x420]  }
0xbc: {  	v4 =	vld [tilespmem:s25+$0x430]  }
0xbd: {  	v5 =	vld [tilespmem:s25+$0x440]  }
0xbe: {  	v6 =	vld [tilespmem:s25+$0x450]  }
0xbf: {  	v7 =	vld [tilespmem:s25+$0x460]  }
0xc0: {  	[tilespmem:s25+$0xC470] =	vst.add.f32.msk $0xffff, v0  }
0xc1: {  	[tilespmem:s25+$0x4400] =	vst.add.f32.msk $0xffff, v1  }
0xc2: {  	[tilespmem:s25+$0xC400] =	vst.add.f32.msk $0xffff, v1  }
0xc3: {  	[tilespmem:s25+$0x4410] =	vst.add.f32.msk $0xffff, v2  }
0xc4: {  	[tilespmem:s25+$0xC410] =	vst.add.f32.msk $0xffff, v2  }
0xc5: {  	[tilespmem:s25+$0x4420] =	vst.add.f32.msk $0xffff, v3  }
0xc6: {  	[tilespmem:s25+$0xC420] =	vst.add.f32.msk $0xffff, v3  }
0xc7: {  	[tilespmem:s25+$0x4430] =	vst.add.f32.msk $0xffff, v4  }
0xc8: {  	[tilespmem:s25+$0xC430] =	vst.add.f32.msk $0xffff, v4  }
0xc9: {  	[tilespmem:s25+$0x4440] =	vst.add.f32.msk $0xffff, v5  }
0xca: {  	[tilespmem:s25+$0xC440] =	vst.add.f32.msk $0xffff, v5  }
0xcb: {  	[tilespmem:s25+$0x4450] =	vst.add.f32.msk $0xffff, v6  }
0xcc: {  	[tilespmem:s25+$0xC450] =	vst.add.f32.msk $0xffff, v6  }
0xcd: {  	[tilespmem:s25+$0x4460] =	vst.add.f32.msk $0xffff, v7  }
0xce: {  	[tilespmem:s25+$0xC460] =	vst.add.f32.msk $0xffff, v7  }
0xcf: {  	[tilespmem:s25+$0x4470] =	vst.add.f32.msk $0xffff, v0  }
0xd0: {  	s18 =	simm.s32 $0x0;
	s25 =	rddreg [dreg:$0x12]  }
0xd1: {  	[hbm4b:s25+s18] =	stream.linear.scatter [tilespmem:s5], [sflag:$0x6], $0x2000, $0x38;
	[tilespmem:$0x12400] =	vst v63  }
0xd2: {  	s30 =	rddreg [dreg:$0x13]  }
0xd3: {  	[hbm4b:s30+s18] =	stream.linear.scatter [tilespmem:s6], [sflag:$0x7], $0x2000, $0x38;
	[tilespmem:$0x12400] =	vst v63  }
0xd4: {  	_ =	swait.ge [sflag:s22], $0x2000  }
0xd5: {  	[sflag:s22] =	ssyncset.done $0x0  }
0xd6: {  	[sflag:s22] =	ssyncadd.s32 $0xFFFFE000  }
0xd7: {  	_ =	swait.ge [sflag:s16], $0x2000  }
0xd8: {  	[sflag:s16] =	ssyncset.done $0x0  }
0xd9: {  	s25 =	simm.s32 $0x0;
	s18 =	simm.s32 $0x200;
	[sflag:s16] =	ssyncadd.s32 $0xFFFFE000  }
.LBB2_6:
0xda: {  	p0 =	sne.s32 s18, $0x7E00;
	v0 =	vld [tilespmem:s25+$0x470]  }
0xdb: {  	v1 =	vld [tilespmem:s25+$0x400]  }
0xdc: {  	v2 =	vld [tilespmem:s25+$0x410]  }
0xdd: {  	v3 =	vld [tilespmem:s25+$0x420]  }
0xde: {  	v4 =	vld [tilespmem:s25+$0x430]  }
0xdf: {  	[tilespmem:s25+$0xE470] =	vst.add.f32.msk $0xffff, v0  }
0xe0: {  	v5 =	vld [tilespmem:s25+$0x440]  }
0xe1: {  	v6 =	vld [tilespmem:s25+$0x450]  }
0xe2: {  	v7 =	vld [tilespmem:s25+$0x460]  }
0xe3: {  	[tilespmem:s25+$0x6400] =	vst.add.f32.msk $0xffff, v1  }
0xe4: {  	[tilespmem:s25+$0xE400] =	vst.add.f32.msk $0xffff, v1  }
0xe5: {  	[tilespmem:s25+$0x6410] =	vst.add.f32.msk $0xffff, v2  }
0xe6: {  	[tilespmem:s25+$0xE410] =	vst.add.f32.msk $0xffff, v2  }
0xe7: {  	[tilespmem:s25+$0x6420] =	vst.add.f32.msk $0xffff, v3  }
0xe8: {  	[tilespmem:s25+$0xE420] =	vst.add.f32.msk $0xffff, v3  }
0xe9: {  	[tilespmem:s25+$0x6430] =	vst.add.f32.msk $0xffff, v4  }
0xea: {  	[tilespmem:s25+$0xE430] =	vst.add.f32.msk $0xffff, v4  }
0xeb: {  	[tilespmem:s25+$0x6440] =	vst.add.f32.msk $0xffff, v5  }
0xec: {  	[tilespmem:s25+$0xE440] =	vst.add.f32.msk $0xffff, v5  }
.Ltmp2:
0xed: {  	[tilespmem:s25+$0x6450] =	vst.add.f32.msk $0xffff, v6;
	(pc) =	sbr.rel @p0 .LBB2_6-.Ltmp2, $4  }
0xee: {  	[tilespmem:s25+$0xE450] =	vst.add.f32.msk $0xffff, v6  }
0xef: {  	[tilespmem:s25+$0x6460] =	vst.add.f32.msk $0xffff, v7  }
0xf0: {  	[tilespmem:s25+$0xE460] =	vst.add.f32.msk $0xffff, v7  }
0xf1: {  	[tilespmem:s25+$0x6470] =	vst.add.f32.msk $0xffff, v0;
	s25 =	sshra.s32 s18, $0x2;
	s18 =	sadd.s32 $0x200, s18  }
0xf2: {  	v0 =	vld [tilespmem:s25+$0x470]  }
0xf3: {  	v1 =	vld [tilespmem:s25+$0x400]  }
0xf4: {  	v2 =	vld [tilespmem:s25+$0x410]  }
0xf5: {  	v3 =	vld [tilespmem:s25+$0x420]  }
0xf6: {  	v4 =	vld [tilespmem:s25+$0x430]  }
0xf7: {  	v5 =	vld [tilespmem:s25+$0x440]  }
0xf8: {  	v6 =	vld [tilespmem:s25+$0x450]  }
0xf9: {  	v7 =	vld [tilespmem:s25+$0x460]  }
0xfa: {  	[tilespmem:s25+$0xE470] =	vst.add.f32.msk $0xffff, v0  }
0xfb: {  	[tilespmem:s25+$0x6400] =	vst.add.f32.msk $0xffff, v1  }
0xfc: {  	[tilespmem:s25+$0xE400] =	vst.add.f32.msk $0xffff, v1  }
0xfd: {  	[tilespmem:s25+$0x6410] =	vst.add.f32.msk $0xffff, v2  }
0xfe: {  	[tilespmem:s25+$0xE410] =	vst.add.f32.msk $0xffff, v2  }
0xff: {  	[tilespmem:s25+$0x6420] =	vst.add.f32.msk $0xffff, v3  }
0x100: {  	[tilespmem:s25+$0xE420] =	vst.add.f32.msk $0xffff, v3  }
0x101: {  	[tilespmem:s25+$0x6430] =	vst.add.f32.msk $0xffff, v4  }
0x102: {  	[tilespmem:s25+$0xE430] =	vst.add.f32.msk $0xffff, v4  }
0x103: {  	[tilespmem:s25+$0x6440] =	vst.add.f32.msk $0xffff, v5  }
0x104: {  	[tilespmem:s25+$0xE440] =	vst.add.f32.msk $0xffff, v5  }
0x105: {  	[tilespmem:s25+$0x6450] =	vst.add.f32.msk $0xffff, v6  }
0x106: {  	[tilespmem:s25+$0xE450] =	vst.add.f32.msk $0xffff, v6  }
0x107: {  	[tilespmem:s25+$0x6460] =	vst.add.f32.msk $0xffff, v7  }
0x108: {  	[tilespmem:s25+$0xE460] =	vst.add.f32.msk $0xffff, v7  }
0x109: {  	[tilespmem:s25+$0x6470] =	vst.add.f32.msk $0xffff, v0  }
0x10a: {  	s18 =	simm.s32 $0x0;
	s25 =	rddreg [dreg:$0x14]  }
0x10b: {  	[hbm4b:s25+s18] =	stream.linear.scatter [tilespmem:s7], [sflag:$0x8], $0x2000, $0x38;
	[tilespmem:$0x12400] =	vst v63  }
0x10c: {  	s30 =	rddreg [dreg:$0x15]  }
0x10d: {  	[hbm4b:s30+s18] =	stream.linear.scatter [tilespmem:s8], [sflag:$0x9], $0x2000, $0x38;
	[tilespmem:$0x12400] =	vst v63  }
0x10e: {  	_ =	swait.ge [sflag:s23], $0x2000  }
0x10f: {  	[sflag:s23] =	ssyncset.done $0x0  }
0x110: {  	[sflag:s23] =	ssyncadd.s32 $0xFFFFE000  }
0x111: {  	_ =	swait.ge [sflag:s17], $0x2000  }
0x112: {  	[sflag:s17] =	ssyncset.done $0x0  }
0x113: {  	s25 =	simm.s32 $0x0;
	s18 =	simm.s32 $0x200;
	[sflag:s17] =	ssyncadd.s32 $0xFFFFE000  }
.LBB2_8:
0x114: {  	p0 =	sne.s32 s18, $0x7E00;
	v0 =	vld [tilespmem:s25+$0x470]  }
0x115: {  	v1 =	vld [tilespmem:s25+$0x400]  }
0x116: {  	v2 =	vld [tilespmem:s25+$0x410]  }
0x117: {  	v3 =	vld [tilespmem:s25+$0x420]  }
0x118: {  	v4 =	vld [tilespmem:s25+$0x430]  }
0x119: {  	[tilespmem:s25+$0x10470] =	vst.add.f32.msk $0xffff, v0  }
0x11a: {  	v5 =	vld [tilespmem:s25+$0x440]  }
0x11b: {  	v6 =	vld [tilespmem:s25+$0x450]  }
0x11c: {  	v7 =	vld [tilespmem:s25+$0x460]  }
0x11d: {  	[tilespmem:s25+$0x8400] =	vst.add.f32.msk $0xffff, v1  }
0x11e: {  	[tilespmem:s25+$0x10400] =	vst.add.f32.msk $0xffff, v1  }
0x11f: {  	[tilespmem:s25+$0x8410] =	vst.add.f32.msk $0xffff, v2  }
0x120: {  	[tilespmem:s25+$0x10410] =	vst.add.f32.msk $0xffff, v2  }
0x121: {  	[tilespmem:s25+$0x8420] =	vst.add.f32.msk $0xffff, v3  }
0x122: {  	[tilespmem:s25+$0x10420] =	vst.add.f32.msk $0xffff, v3  }
0x123: {  	[tilespmem:s25+$0x8430] =	vst.add.f32.msk $0xffff, v4  }
0x124: {  	[tilespmem:s25+$0x10430] =	vst.add.f32.msk $0xffff, v4  }
0x125: {  	[tilespmem:s25+$0x8440] =	vst.add.f32.msk $0xffff, v5  }
0x126: {  	[tilespmem:s25+$0x10440] =	vst.add.f32.msk $0xffff, v5  }
.Ltmp3:
0x127: {  	[tilespmem:s25+$0x8450] =	vst.add.f32.msk $0xffff, v6;
	(pc) =	sbr.rel @p0 .LBB2_8-.Ltmp3, $4  }
0x128: {  	[tilespmem:s25+$0x10450] =	vst.add.f32.msk $0xffff, v6  }
0x129: {  	[tilespmem:s25+$0x8460] =	vst.add.f32.msk $0xffff, v7  }
0x12a: {  	[tilespmem:s25+$0x10460] =	vst.add.f32.msk $0xffff, v7  }
0x12b: {  	[tilespmem:s25+$0x8470] =	vst.add.f32.msk $0xffff, v0;
	s25 =	sshra.s32 s18, $0x2;
	s18 =	sadd.s32 $0x200, s18  }
0x12c: {  	v0 =	vld [tilespmem:s25+$0x470]  }
0x12d: {  	v1 =	vld [tilespmem:s25+$0x400]  }
0x12e: {  	v2 =	vld [tilespmem:s25+$0x410]  }
0x12f: {  	v3 =	vld [tilespmem:s25+$0x420]  }
0x130: {  	v4 =	vld [tilespmem:s25+$0x430]  }
0x131: {  	v5 =	vld [tilespmem:s25+$0x440]  }
0x132: {  	v6 =	vld [tilespmem:s25+$0x450]  }
0x133: {  	v7 =	vld [tilespmem:s25+$0x460]  }
0x134: {  	[tilespmem:s25+$0x10470] =	vst.add.f32.msk $0xffff, v0  }
0x135: {  	[tilespmem:s25+$0x8400] =	vst.add.f32.msk $0xffff, v1  }
0x136: {  	[tilespmem:s25+$0x10400] =	vst.add.f32.msk $0xffff, v1  }
0x137: {  	[tilespmem:s25+$0x8410] =	vst.add.f32.msk $0xffff, v2  }
0x138: {  	[tilespmem:s25+$0x10410] =	vst.add.f32.msk $0xffff, v2  }
0x139: {  	[tilespmem:s25+$0x8420] =	vst.add.f32.msk $0xffff, v3  }
0x13a: {  	[tilespmem:s25+$0x10420] =	vst.add.f32.msk $0xffff, v3  }
0x13b: {  	[tilespmem:s25+$0x8430] =	vst.add.f32.msk $0xffff, v4  }
0x13c: {  	[tilespmem:s25+$0x10430] =	vst.add.f32.msk $0xffff, v4  }
0x13d: {  	[tilespmem:s25+$0x8440] =	vst.add.f32.msk $0xffff, v5  }
0x13e: {  	[tilespmem:s25+$0x10440] =	vst.add.f32.msk $0xffff, v5  }
0x13f: {  	[tilespmem:s25+$0x8450] =	vst.add.f32.msk $0xffff, v6  }
0x140: {  	[tilespmem:s25+$0x10450] =	vst.add.f32.msk $0xffff, v6  }
0x141: {  	[tilespmem:s25+$0x8460] =	vst.add.f32.msk $0xffff, v7  }
0x142: {  	[tilespmem:s25+$0x10460] =	vst.add.f32.msk $0xffff, v7  }
0x143: {  	[tilespmem:s25+$0x8470] =	vst.add.f32.msk $0xffff, v0  }
0x144: {  	s18 =	rddreg [dreg:$0x16]  }
0x145: {  	[hbm4b:s18+s3] =	stream.linear.scatter [tilespmem:s9], [sflag:$0xA], $0x2000, $0x38;
	[tilespmem:$0x12400] =	vst v63  }
0x146: {  	s25 =	rddreg [dreg:$0x17]  }
0x147: {  	[hbm4b:s25+s3] =	stream.linear.scatter [tilespmem:s10], [sflag:$0xB], $0x2000, $0x38;
	[tilespmem:$0x12400] =	vst v63  }
0x148: {  	_ =	swait.ge [sflag:s12], $0x2000  }
0x149: {  	[sflag:s12] =	ssyncset.done $0x0  }
0x14a: {  	[sflag:s12] =	ssyncadd.s32 $0xFFFFE000  }
0x14b: {  	_ =	swait.ge [sflag:s13], $0x2000  }
0x14c: {  	[sflag:s13] =	ssyncset.done $0x0  }
0x14d: {  	[sflag:s13] =	ssyncadd.s32 $0xFFFFE000  }
0x14e: {  	_ =	swait.ge [sflag:s14], $0x2000  }
0x14f: {  	[sflag:s14] =	ssyncset.done $0x0  }
0x150: {  	[sflag:s14] =	ssyncadd.s32 $0xFFFFE000  }
0x151: {  	_ =	swait.ge [sflag:s15], $0x2000  }
0x152: {  	[sflag:s15] =	ssyncset.done $0x0  }
0x153: {  	[sflag:s15] =	ssyncadd.s32 $0xFFFFE000  }
0x154: {  	_ =	swait.ge [sflag:s22], $0x2000  }
0x155: {  	[sflag:s22] =	ssyncset.done $0x0  }
0x156: {  	[sflag:s22] =	ssyncadd.s32 $0xFFFFE000  }
0x157: {  	_ =	swait.ge [sflag:s16], $0x2000  }
0x158: {  	[sflag:s16] =	ssyncset.done $0x0  }
0x159: {  	[sflag:s16] =	ssyncadd.s32 $0xFFFFE000  }
0x15a: {  	_ =	swait.ge [sflag:s23], $0x2000  }
0x15b: {  	[sflag:s23] =	ssyncset.done $0x0  }
0x15c: {  	[sflag:s23] =	ssyncadd.s32 $0xFFFFE000  }
0x15d: {  	_ =	swait.ge [sflag:s17], $0x2000  }
0x15e: {  	s24 =	sadd.s32 $0x1, s24;
	s30 =	rddreg [dreg:$0x18]  }
0x15f: {  	p0 =	sne.s32 s24, s30  }
.Ltmp4:
0x160: {  	_ = 	snop;
	(pc) =	sbr.rel @p0 .LBB2_1-.Ltmp4, $3  }
0x161: {  	_ =	sdelay $0x1  }
0x162: {  	[sflag:s17] =	ssyncset.done $0x0  }
0x163: {  	[sflag:s17] =	ssyncadd.s32 $0xFFFFE000  }
0x164: {  	_ =	sfence.sel $0x180000  }
0x165: {  	[bflag:$0x0] =	sbarrier.arrive $0xFFFF  }
0x166: {  	_ =	strace $0x90000047  }
0x167: {  	s0 =	stileid.u32;
	[bflag:$0x2] =	sbarrier.arrive $0xFFFF  }
0x168: {  	p0 =	sne.s32 s0, $0x0;
	s0 =	rddreg [dreg:$0x6]  }
0x169: {  	s0 =	sadd.s32 @!p0 $0x100000, s0  }
0x16a: {  	[sflag:s0] =	ssyncadd.tile.s32 @!p0 $0x1;
	_ =	shalt  }
.Lfunc_end2:
_tile_overlayer_lowered:
.L_overlay_start_2:
0x16b: {  	(tag) =	ssettag $0x2  }
0x16c: {  	s0 =	rddreg [dreg:$0x0];
	s2 =	stileid.u32  }
0x16d: {  	s1 =	rddreg [dreg:$0x1];
	p0 =	sne.s32 s2, $0x0  }
0x16e: {  	s3 =	rddreg [dreg:$0x2];
	[bflag:$0x3] =	sbarrier.arrive $0xFFFF;
	s2 =	simm.s32 @!p0 $0x1C0C  }
0x16f: {  	[timem:s3], [sflag:s2] =	dma.local @!p0 [hbm:s0], s1  }
0x170: {  	s0 =	simm.s32 @!p0 $0xC  }
0x171: {  	_ =	swait.ge @!p0 [sflag:s0], s1  }
0x172: {  	s1 =	ssub.s32 @!p0 $0x0, s1;
	[sflag:s0] =	ssyncset.done @!p0 $0x0  }
0x173: {  	[sflag:s0] =	ssyncadd.s32 @!p0 s1  }
0x174: {  	[bflag:$0x3] =	sbarrier.arrive $0xFFFF  }
0x175: {  	_ =	shalt  }

</sc_bundles>
